<compile_context>
chip_gen: v7x
topology: tpu7x:2x2x1
jax: 0.10.2.dev20260603
libtpu: 0.0.44.dev20260713+nightly
codegen_flags: <defaults>
</compile_context>

<pallas_src>
import functools

import jax
import jax.numpy as jnp
from jax import lax
from jax.experimental import pallas as pl
from jax.experimental.pallas import tpu as pltpu
from jax.experimental.pallas import tpu_sc as plsc

NC = 2
NS = 16
NW = NC * NS
L = 16
STEP = 128
NBUF = 5
A = 4


@functools.cache
def _build(BATCH, HIST, V, D, NSPEC):
    assert BATCH % NW == 0 and STEP == BATCH // NW
    nsteps = HIST
    assert nsteps % NBUF == 0 and A < NBUF <= nsteps
    mesh = plsc.VectorSubcoreMesh(core_axis_name="c", subcore_axis_name="s")

    def body(idx_hbm, word_hbm, spec_hbm, out_hbm, idx_all, spec_v, nsm,
             ssem, isem, *slots):
        idx_adj = slots[0:NBUF]
        rows = slots[NBUF:2 * NBUF]
        pos_v = slots[2 * NBUF:3 * NBUF]
        sv_v = slots[3 * NBUF:4 * NBUF]
        gsem = slots[4 * NBUF:5 * NBUF]
        osem = slots[5 * NBUF:6 * NBUF]

        wid = lax.axis_index("s") * NC + lax.axis_index("c")
        b0 = wid * STEP
        pltpu.async_copy(spec_hbm, spec_v, ssem)
        idx_cp = pltpu.async_copy(idx_hbm.at[:, pl.ds(b0, STEP)], idx_all, isem)
        idx_cp.wait()

        def launch(h, s):
            def group(g, n):
                gpos = g * L + lax.iota(jnp.int32, L)
                v = idx_all[h, pl.ds(g * L, L)]
                m = v < NSPEC
                idx_adj[s][pl.ds(g * L, L)] = jnp.clip(v - NSPEC, 0, V - 1)
                cum = plsc.cumsum(m.astype(jnp.int32))
                dest = n + cum - 1
                plsc.store_scatter(pos_v[s], [dest], gpos, mask=m)
                plsc.store_scatter(sv_v[s], [dest], v, mask=m)
                return n + cum[L - 1]
            nsm[s] = lax.fori_loop(0, STEP // L, group, jnp.int32(0))
            pltpu.async_copy(word_hbm.at[idx_adj[s]], rows[s], gsem[s])

        def finish(h, s):
            pltpu.make_async_copy(
                word_hbm.at[idx_adj[s]], rows[s], gsem[s]).wait()

            def fix(i, c):
                p = pos_v[s][pl.ds(i, L)][0]
                sv = jnp.maximum(sv_v[s][pl.ds(i, L)][0], 0)

                def col(cb, c2):
                    rows[s][p, pl.ds(cb * L, L)] = spec_v[sv, pl.ds(cb * L, L)]
                    return c2
                return lax.fori_loop(0, D // L, col, c)
            lax.fori_loop(0, nsm[s], fix, jnp.int32(0))

            pltpu.async_copy(
                rows[s], out_hbm.at[h, pl.ds(b0, STEP)], osem[s])

        def wait_out(s):
            pltpu.make_async_copy(
                rows[s], out_hbm.at[0, pl.ds(b0, STEP)], osem[s]).wait()

        for k in range(A):
            launch(k, k)
        pltpu.make_async_copy(spec_hbm, spec_v, ssem).wait()

        def block(b, carry):
            for s in range(NBUF):
                h = b * NBUF + s
                hl = h + A
                ls = (s + A) % NBUF

                @pl.when(hl < nsteps)
                def _(hl=hl, ls=ls):
                    @pl.when(hl >= NBUF)
                    def _():
                        wait_out(ls)
                    launch(hl, ls)

                finish(h, s)
            return carry

        lax.fori_loop(0, nsteps // NBUF, block, jnp.int32(0))
        for s in range(NBUF):
            wait_out(s)

    return pl.kernel(
        body,
        out_type=jax.ShapeDtypeStruct((HIST, BATCH, D), jnp.float32),
        mesh=mesh,
        compiler_params=pltpu.CompilerParams(needs_layout_passes=False),
        scratch_types=[
            pltpu.VMEM((HIST, STEP), jnp.int32),
            pltpu.VMEM((NSPEC, D), jnp.float32),
            pltpu.SMEM((NBUF,), jnp.int32),
            pltpu.SemaphoreType.DMA,
            pltpu.SemaphoreType.DMA,
        ]
        + [pltpu.VMEM((STEP,), jnp.int32)] * NBUF
        + [pltpu.VMEM((STEP, D), jnp.float32)] * NBUF
        + [pltpu.VMEM((STEP + L,), jnp.int32)] * NBUF
        + [pltpu.VMEM((STEP + L,), jnp.int32)] * NBUF
        + [pltpu.SemaphoreType.DMA] * NBUF
        + [pltpu.SemaphoreType.DMA] * NBUF,
    )


def kernel(inputs, word_embeddings, special_embeddings):
    BATCH, HIST = inputs.shape
    V, D = word_embeddings.shape
    NSPEC = special_embeddings.shape[0]
    idx_t = inputs.T.astype(jnp.int32)
    out_t = _build(BATCH, HIST, V, D, NSPEC)(
        idx_t, word_embeddings, special_embeddings)
    return jnp.transpose(out_t, (1, 0, 2))

# --- scband reference (transcript-rebuilt; emitter-appended) ---
"""Pipeline reference for scband-pre-trained-word-embedding-12799002542452 (READ-ONLY COPY).

The authoritative reference and input builder live on the scoring server;
editing this copy changes nothing except your own understanding.
"""

import jax, jax.numpy as jnp
import numpy as np

VOCAB = 100000
NUM_SPECIALS = 4
EMBED_DIM = 128
PAD_INDEX = 0
BATCH = 4096
HIST = 50

def setup_inputs(seed: int = 0) -> dict:
    key = jax.random.key(seed)
    k1, k2, k3 = jax.random.split(key, 3)
    inputs = jax.random.randint(k1, (BATCH, HIST), 0, VOCAB + NUM_SPECIALS, dtype=jnp.int64) if jax.config.jax_enable_x64 else jax.random.randint(k1, (BATCH, HIST), 0, VOCAB + NUM_SPECIALS, dtype=jnp.int32)
    word_embeddings = jax.random.normal(k2, (VOCAB, EMBED_DIM), dtype=jnp.float32)
    special_embeddings = jax.random.normal(k3, (NUM_SPECIALS, EMBED_DIM), dtype=jnp.float32)
    return {"inputs": inputs, "word_embeddings": word_embeddings, "special_embeddings": special_embeddings}

def reference(inputs, word_embeddings, special_embeddings):
    # weights = cat(special_embeddings, word_embeddings), as in the torch module
    weights = jnp.concatenate([special_embeddings, word_embeddings], axis=0)
    # eval mode (training=False): plain F.embedding lookup with padding_idx
    # (padding_idx only affects the backward pass in torch; forward is a gather)
    out = jnp.take(weights, inputs, axis=0)
    return out

if __name__ == "__main__":
    import jax
    _d = setup_inputs()
    print(jax.jit(kernel)(*tuple(_d.values())))

</pallas_src>

<mosaic_0001>
#map = affine_map<(d0, d1) -> (0, 0)>
#map1 = affine_map<(d0, d1) -> (0, 0, 0)>
module attributes {stable_mosaic.version = 14 : i64} {
  func.func @body(%arg0: i32, %arg1: i32, %arg2: memref<50x4096xi32, #tpu.memory_space<hbm>>, %arg3: memref<100000x128xf32, #tpu.memory_space<hbm>>, %arg4: memref<4x128xf32, #tpu.memory_space<hbm>>, %arg5: memref<50x4096x128xf32, #tpu.memory_space<hbm>>, %arg6: memref<50x128xi32, #tpu.memory_space<vmem>>, %arg7: memref<4x128xf32, #tpu.memory_space<vmem>>, %arg8: memref<5xi32, #tpu.memory_space<smem>>, %arg9: memref<!tpu.dma_semaphore, #tpu.memory_space<semaphore_mem>>, %arg10: memref<!tpu.dma_semaphore, #tpu.memory_space<semaphore_mem>>, %arg11: memref<128xi32, #tpu.memory_space<vmem>>, %arg12: memref<128xi32, #tpu.memory_space<vmem>>, %arg13: memref<128xi32, #tpu.memory_space<vmem>>, %arg14: memref<128xi32, #tpu.memory_space<vmem>>, %arg15: memref<128xi32, #tpu.memory_space<vmem>>, %arg16: memref<128x128xf32, #tpu.memory_space<vmem>>, %arg17: memref<128x128xf32, #tpu.memory_space<vmem>>, %arg18: memref<128x128xf32, #tpu.memory_space<vmem>>, %arg19: memref<128x128xf32, #tpu.memory_space<vmem>>, %arg20: memref<128x128xf32, #tpu.memory_space<vmem>>, %arg21: memref<144xi32, #tpu.memory_space<vmem>>, %arg22: memref<144xi32, #tpu.memory_space<vmem>>, %arg23: memref<144xi32, #tpu.memory_space<vmem>>, %arg24: memref<144xi32, #tpu.memory_space<vmem>>, %arg25: memref<144xi32, #tpu.memory_space<vmem>>, %arg26: memref<144xi32, #tpu.memory_space<vmem>>, %arg27: memref<144xi32, #tpu.memory_space<vmem>>, %arg28: memref<144xi32, #tpu.memory_space<vmem>>, %arg29: memref<144xi32, #tpu.memory_space<vmem>>, %arg30: memref<144xi32, #tpu.memory_space<vmem>>, %arg31: memref<!tpu.dma_semaphore, #tpu.memory_space<semaphore_mem>>, %arg32: memref<!tpu.dma_semaphore, #tpu.memory_space<semaphore_mem>>, %arg33: memref<!tpu.dma_semaphore, #tpu.memory_space<semaphore_mem>>, %arg34: memref<!tpu.dma_semaphore, #tpu.memory_space<semaphore_mem>>, %arg35: memref<!tpu.dma_semaphore, #tpu.memory_space<semaphore_mem>>, %arg36: memref<!tpu.dma_semaphore, #tpu.memory_space<semaphore_mem>>, %arg37: memref<!tpu.dma_semaphore, #tpu.memory_space<semaphore_mem>>, %arg38: memref<!tpu.dma_semaphore, #tpu.memory_space<semaphore_mem>>, %arg39: memref<!tpu.dma_semaphore, #tpu.memory_space<semaphore_mem>>, %arg40: memref<!tpu.dma_semaphore, #tpu.memory_space<semaphore_mem>>) attributes {dimension_semantics = [#tpu.dimension_semantics<core_parallel>, #tpu.dimension_semantics<subcore_parallel>], iteration_bounds = array<i64: 2, 16>, scalar_prefetch = 0 : i64, scratch_operands = 35 : i64, tpu.core_type = #tpu.core_type<sc_vector_subcore>, window_params = [{transform_indices = #map}, {transform_indices = #map}, {transform_indices = #map}, {transform_indices = #map1}]} {
    %mul3A = arith.constant 2 : i32
    %mul3A_0 = arith.muli %arg1, %mul3A : i32
    %add3A = arith.addi %mul3A_0, %arg0 : i32
    %mul3A_1 = arith.constant 128 : i32
    %mul3A_2 = arith.muli %add3A, %mul3A_1 : i32
    tpu.enqueue_dma source(%arg4 : memref<4x128xf32, #tpu.memory_space<hbm>>) target(%arg7 : memref<4x128xf32, #tpu.memory_space<vmem>>) target_semaphore(%arg9 : memref<!tpu.dma_semaphore, #tpu.memory_space<semaphore_mem>>)
    %dma_start3A = arith.constant 0 : i32
    %dma_start3A_3 = tpu.memref_slice %arg2[%dma_start3A, %mul3A_2] : memref<50x4096xi32, #tpu.memory_space<hbm>> -> memref<50x128xi32, #tpu.memory_space<hbm>>
    %dma_start3A_4 = arith.constant 0 : i32
    %dma_start3A_5 = tpu.memref_slice %arg2[%dma_start3A_4, %mul3A_2] : memref<50x4096xi32, #tpu.memory_space<hbm>> -> memref<50x128xi32, #tpu.memory_space<hbm>>
    tpu.enqueue_dma source(%dma_start3A_5 : memref<50x128xi32, #tpu.memory_space<hbm>>) target(%arg6 : memref<50x128xi32, #tpu.memory_space<vmem>>) target_semaphore(%arg10 : memref<!tpu.dma_semaphore, #tpu.memory_space<semaphore_mem>>)
    %dma_wait3A = arith.constant 0 : i32
    %dma_wait3A_6 = tpu.memref_slice %arg2[%dma_wait3A, %mul3A_2] : memref<50x4096xi32, #tpu.memory_space<hbm>> -> memref<50x128xi32, #tpu.memory_space<hbm>>
    %dma_wait3A_7 = arith.constant 0 : i32
    %dma_wait3A_8 = tpu.memref_slice %arg2[%dma_wait3A_7, %mul3A_2] : memref<50x4096xi32, #tpu.memory_space<hbm>> -> memref<50x128xi32, #tpu.memory_space<hbm>>
    tpu.wait_dma2 semaphore(%arg10 : memref<!tpu.dma_semaphore, #tpu.memory_space<semaphore_mem>>) src(%dma_wait3A_8 : memref<50x128xi32, #tpu.memory_space<hbm>>) dst(%arg6 : memref<50x128xi32, #tpu.memory_space<vmem>>)
    %scan3A = arith.constant 0 : i32
    %scan3A_9 = arith.constant 0 : i32
    %scan3A_10 = arith.constant 8 : i32
    %scan3A_11 = arith.addi %scan3A_9, %scan3A_10 : i32
    %scan3A_12 = arith.constant 1 : i32
    %scan3A_13 = scf.for %scan3A_100 = %scan3A_9 to %scan3A_11 step %scan3A_12 iter_args(%scan3A_101 = %scan3A) -> (i32)  : i32 {
      %mul3A_102 = arith.constant 16 : i32
      %mul3A_103 = arith.muli %scan3A_100, %mul3A_102 : i32
      %iota3A = tpu.iota {dimensions = array<i32: 0>} : vector<16xi32>
      %add3A_104 = vector.broadcast %mul3A_103 : i32 to vector<16xi32>
      %add3A_105 = arith.addi %add3A_104, %iota3A : vector<16xi32>
      %mul3A_106 = arith.constant 16 : i32
      %mul3A_107 = arith.muli %scan3A_100, %mul3A_106 : i32
      %get3A = arith.constant 0 : i32
      %get3A_108 = arith.index_cast %get3A : i32 to index
      %get3A_109 = arith.index_cast %mul3A_107 : i32 to index
      %get3A_110 = tpu.vector_load %arg6[%get3A_108, %get3A_109] {strides = array<i32>} : memref<50x128xi32, #tpu.memory_space<vmem>>, vector<16xi32>,
      %lt3A = arith.constant 4 : i32
      %lt3A_111 = vector.broadcast %lt3A : i32 to vector<16xi32>
      %lt3A_112 = arith.cmpi slt, %get3A_110, %lt3A_111 : vector<16xi32>
      %sub3A = arith.constant 4 : i32
      %sub3A_113 = vector.broadcast %sub3A : i32 to vector<16xi32>
      %sub3A_114 = arith.subi %get3A_110, %sub3A_113 : vector<16xi32>
      %jit3A = arith.constant 0 : i32
      %jit3A_115 = arith.constant 99999 : i32
      %max3A = vector.broadcast %jit3A : i32 to vector<16xi32>
      %max3A_116 = arith.maxsi %max3A, %sub3A_114 : vector<16xi32>
      %min3A = vector.broadcast %jit3A_115 : i32 to vector<16xi32>
      %min3A_117 = arith.minsi %min3A, %max3A_116 : vector<16xi32>
      %mul3A_118 = arith.constant 16 : i32
      %mul3A_119 = arith.muli %scan3A_100, %mul3A_118 : i32
      %swap3A_120 = arith.index_cast %mul3A_119 : i32 to index
      %swap3A_121 = tpu.vector_load %arg11[%swap3A_120] {strides = array<i32>} : memref<128xi32, #tpu.memory_space<vmem>>, vector<16xi32>,
      tpu.vector_store %arg11[%swap3A_120], %min3A_117 {strides = array<i32>} : memref<128xi32, #tpu.memory_space<vmem>>, vector<16xi32>,
      %convert_element_type3A = arith.extui %lt3A_112 : vector<16xi1> to vector<16xi32>
      %broadcast_in_dim3A = arith.constant true
      %broadcast_in_dim3A_122 = vector.broadcast %broadcast_in_dim3A : i1 to vector<16xi1>
      %masked_cumsum3A = tpu.scan <sum>, %convert_element_type3A masked %broadcast_in_dim3A_122 : vector<16xi32>, vector<16xi1> -> vector<16xi32>
      %add3A_123 = vector.broadcast %scan3A_101 : i32 to vector<16xi32>
      %add3A_124 = arith.addi %add3A_123, %masked_cumsum3A : vector<16xi32>
      %sub3A_125 = arith.constant 1 : i32
      %sub3A_126 = vector.broadcast %sub3A_125 : i32 to vector<16xi32>
      %sub3A_127 = arith.subi %add3A_124, %sub3A_126 : vector<16xi32>
      tpu.vector_store_idx %arg21[%sub3A_127], %add3A_105 masked %lt3A_112 : memref<144xi32, #tpu.memory_space<vmem>>[vector<16xi32>], vector<16xi32>, vector<16xi1>
      tpu.vector_store_idx %arg26[%sub3A_127], %get3A_110 masked %lt3A_112 : memref<144xi32, #tpu.memory_space<vmem>>[vector<16xi32>], vector<16xi32>, vector<16xi1>
      %slice3A = vector.extract_strided_slice %masked_cumsum3A {offsets = [15], sizes = [1], strides = [1]} : vector<16xi32> to vector<1xi32>
      %squeeze3A = vector.extract %slice3A[0] : i32 from vector<1xi32>
      %add3A_128 = arith.addi %scan3A_101, %squeeze3A : i32
      scf.yield %add3A_128 : i32
    }
    %scan3A_14 = arith.constant 8 : i32
    %swap3A = arith.constant 0 : i32
    %swap3A_15 = arith.index_cast %swap3A : i32 to index
    %swap3A_16 = memref.load %arg8[%swap3A_15] : memref<5xi32, #tpu.memory_space<smem>>
    memref.store %scan3A_13, %arg8[%swap3A_15] : memref<5xi32, #tpu.memory_space<smem>>
    %dma_start3A_17 = arith.constant 0 : i32
    %dma_start3A_18 = arith.constant 0 : i32
    %dma_start3A_19 = tpu.memref_slice %arg3[%dma_start3A_17, %dma_start3A_18] : memref<100000x128xf32, #tpu.memory_space<hbm>> -> memref<100000x128xf32, #tpu.memory_space<hbm>>
    tpu.enqueue_indirect_dma source(%dma_start3A_19 : memref<100000x128xf32, #tpu.memory_space<hbm>>) target(%arg16 : memref<128x128xf32, #tpu.memory_space<vmem>>) offsets(%arg11 : memref<128xi32, #tpu.memory_space<vmem>>) semaphore(%arg31 : memref<!tpu.dma_semaphore, #tpu.memory_space<semaphore_mem>>)
    %scan3A_20 = arith.constant 0 : i32
    %scan3A_21 = arith.constant 0 : i32
    %scan3A_22 = arith.constant 8 : i32
    %scan3A_23 = arith.addi %scan3A_21, %scan3A_22 : i32
    %scan3A_24 = arith.constant 1 : i32
    %scan3A_25 = scf.for %scan3A_100 = %scan3A_21 to %scan3A_23 step %scan3A_24 iter_args(%scan3A_101 = %scan3A_20) -> (i32)  : i32 {
      %mul3A_102 = arith.constant 16 : i32
      %mul3A_103 = arith.muli %scan3A_100, %mul3A_102 : i32
      %iota3A = tpu.iota {dimensions = array<i32: 0>} : vector<16xi32>
      %add3A_104 = vector.broadcast %mul3A_103 : i32 to vector<16xi32>
      %add3A_105 = arith.addi %add3A_104, %iota3A : vector<16xi32>
      %mul3A_106 = arith.constant 16 : i32
      %mul3A_107 = arith.muli %scan3A_100, %mul3A_106 : i32
      %get3A = arith.constant 1 : i32
      %get3A_108 = arith.index_cast %get3A : i32 to index
      %get3A_109 = arith.index_cast %mul3A_107 : i32 to index
      %get3A_110 = tpu.vector_load %arg6[%get3A_108, %get3A_109] {strides = array<i32>} : memref<50x128xi32, #tpu.memory_space<vmem>>, vector<16xi32>,
      %lt3A = arith.constant 4 : i32
      %lt3A_111 = vector.broadcast %lt3A : i32 to vector<16xi32>
      %lt3A_112 = arith.cmpi slt, %get3A_110, %lt3A_111 : vector<16xi32>
      %sub3A = arith.constant 4 : i32
      %sub3A_113 = vector.broadcast %sub3A : i32 to vector<16xi32>
      %sub3A_114 = arith.subi %get3A_110, %sub3A_113 : vector<16xi32>
      %jit3A = arith.constant 0 : i32
      %jit3A_115 = arith.constant 99999 : i32
      %max3A = vector.broadcast %jit3A : i32 to vector<16xi32>
      %max3A_116 = arith.maxsi %max3A, %sub3A_114 : vector<16xi32>
      %min3A = vector.broadcast %jit3A_115 : i32 to vector<16xi32>
      %min3A_117 = arith.minsi %min3A, %max3A_116 : vector<16xi32>
      %mul3A_118 = arith.constant 16 : i32
      %mul3A_119 = arith.muli %scan3A_100, %mul3A_118 : i32
      %swap3A_120 = arith.index_cast %mul3A_119 : i32 to index
      %swap3A_121 = tpu.vector_load %arg12[%swap3A_120] {strides = array<i32>} : memref<128xi32, #tpu.memory_space<vmem>>, vector<16xi32>,
      tpu.vector_store %arg12[%swap3A_120], %min3A_117 {strides = array<i32>} : memref<128xi32, #tpu.memory_space<vmem>>, vector<16xi32>,
      %convert_element_type3A = arith.extui %lt3A_112 : vector<16xi1> to vector<16xi32>
      %broadcast_in_dim3A = arith.constant true
      %broadcast_in_dim3A_122 = vector.broadcast %broadcast_in_dim3A : i1 to vector<16xi1>
      %masked_cumsum3A = tpu.scan <sum>, %convert_element_type3A masked %broadcast_in_dim3A_122 : vector<16xi32>, vector<16xi1> -> vector<16xi32>
      %add3A_123 = vector.broadcast %scan3A_101 : i32 to vector<16xi32>
      %add3A_124 = arith.addi %add3A_123, %masked_cumsum3A : vector<16xi32>
      %sub3A_125 = arith.constant 1 : i32
      %sub3A_126 = vector.broadcast %sub3A_125 : i32 to vector<16xi32>
      %sub3A_127 = arith.subi %add3A_124, %sub3A_126 : vector<16xi32>
      tpu.vector_store_idx %arg22[%sub3A_127], %add3A_105 masked %lt3A_112 : memref<144xi32, #tpu.memory_space<vmem>>[vector<16xi32>], vector<16xi32>, vector<16xi1>
      tpu.vector_store_idx %arg27[%sub3A_127], %get3A_110 masked %lt3A_112 : memref<144xi32, #tpu.memory_space<vmem>>[vector<16xi32>], vector<16xi32>, vector<16xi1>
      %slice3A = vector.extract_strided_slice %masked_cumsum3A {offsets = [15], sizes = [1], strides = [1]} : vector<16xi32> to vector<1xi32>
      %squeeze3A = vector.extract %slice3A[0] : i32 from vector<1xi32>
      %add3A_128 = arith.addi %scan3A_101, %squeeze3A : i32
      scf.yield %add3A_128 : i32
    }
    %scan3A_26 = arith.constant 8 : i32
    %swap3A_27 = arith.constant 1 : i32
    %swap3A_28 = arith.index_cast %swap3A_27 : i32 to index
    %swap3A_29 = memref.load %arg8[%swap3A_28] : memref<5xi32, #tpu.memory_space<smem>>
    memref.store %scan3A_25, %arg8[%swap3A_28] : memref<5xi32, #tpu.memory_space<smem>>
    %dma_start3A_30 = arith.constant 0 : i32
    %dma_start3A_31 = arith.constant 0 : i32
    %dma_start3A_32 = tpu.memref_slice %arg3[%dma_start3A_30, %dma_start3A_31] : memref<100000x128xf32, #tpu.memory_space<hbm>> -> memref<100000x128xf32, #tpu.memory_space<hbm>>
    tpu.enqueue_indirect_dma source(%dma_start3A_32 : memref<100000x128xf32, #tpu.memory_space<hbm>>) target(%arg17 : memref<128x128xf32, #tpu.memory_space<vmem>>) offsets(%arg12 : memref<128xi32, #tpu.memory_space<vmem>>) semaphore(%arg32 : memref<!tpu.dma_semaphore, #tpu.memory_space<semaphore_mem>>)
    %scan3A_33 = arith.constant 0 : i32
    %scan3A_34 = arith.constant 0 : i32
    %scan3A_35 = arith.constant 8 : i32
    %scan3A_36 = arith.addi %scan3A_34, %scan3A_35 : i32
    %scan3A_37 = arith.constant 1 : i32
    %scan3A_38 = scf.for %scan3A_100 = %scan3A_34 to %scan3A_36 step %scan3A_37 iter_args(%scan3A_101 = %scan3A_33) -> (i32)  : i32 {
      %mul3A_102 = arith.constant 16 : i32
      %mul3A_103 = arith.muli %scan3A_100, %mul3A_102 : i32
      %iota3A = tpu.iota {dimensions = array<i32: 0>} : vector<16xi32>
      %add3A_104 = vector.broadcast %mul3A_103 : i32 to vector<16xi32>
      %add3A_105 = arith.addi %add3A_104, %iota3A : vector<16xi32>
      %mul3A_106 = arith.constant 16 : i32
      %mul3A_107 = arith.muli %scan3A_100, %mul3A_106 : i32
      %get3A = arith.constant 2 : i32
      %get3A_108 = arith.index_cast %get3A : i32 to index
      %get3A_109 = arith.index_cast %mul3A_107 : i32 to index
      %get3A_110 = tpu.vector_load %arg6[%get3A_108, %get3A_109] {strides = array<i32>} : memref<50x128xi32, #tpu.memory_space<vmem>>, vector<16xi32>,
      %lt3A = arith.constant 4 : i32
      %lt3A_111 = vector.broadcast %lt3A : i32 to vector<16xi32>
      %lt3A_112 = arith.cmpi slt, %get3A_110, %lt3A_111 : vector<16xi32>
      %sub3A = arith.constant 4 : i32
      %sub3A_113 = vector.broadcast %sub3A : i32 to vector<16xi32>
      %sub3A_114 = arith.subi %get3A_110, %sub3A_113 : vector<16xi32>
      %jit3A = arith.constant 0 : i32
      %jit3A_115 = arith.constant 99999 : i32
      %max3A = vector.broadcast %jit3A : i32 to vector<16xi32>
      %max3A_116 = arith.maxsi %max3A, %sub3A_114 : vector<16xi32>
      %min3A = vector.broadcast %jit3A_115 : i32 to vector<16xi32>
      %min3A_117 = arith.minsi %min3A, %max3A_116 : vector<16xi32>
      %mul3A_118 = arith.constant 16 : i32
      %mul3A_119 = arith.muli %scan3A_100, %mul3A_118 : i32
      %swap3A_120 = arith.index_cast %mul3A_119 : i32 to index
      %swap3A_121 = tpu.vector_load %arg13[%swap3A_120] {strides = array<i32>} : memref<128xi32, #tpu.memory_space<vmem>>, vector<16xi32>,
      tpu.vector_store %arg13[%swap3A_120], %min3A_117 {strides = array<i32>} : memref<128xi32, #tpu.memory_space<vmem>>, vector<16xi32>,
      %convert_element_type3A = arith.extui %lt3A_112 : vector<16xi1> to vector<16xi32>
      %broadcast_in_dim3A = arith.constant true
      %broadcast_in_dim3A_122 = vector.broadcast %broadcast_in_dim3A : i1 to vector<16xi1>
      %masked_cumsum3A = tpu.scan <sum>, %convert_element_type3A masked %broadcast_in_dim3A_122 : vector<16xi32>, vector<16xi1> -> vector<16xi32>
      %add3A_123 = vector.broadcast %scan3A_101 : i32 to vector<16xi32>
      %add3A_124 = arith.addi %add3A_123, %masked_cumsum3A : vector<16xi32>
      %sub3A_125 = arith.constant 1 : i32
      %sub3A_126 = vector.broadcast %sub3A_125 : i32 to vector<16xi32>
      %sub3A_127 = arith.subi %add3A_124, %sub3A_126 : vector<16xi32>
      tpu.vector_store_idx %arg23[%sub3A_127], %add3A_105 masked %lt3A_112 : memref<144xi32, #tpu.memory_space<vmem>>[vector<16xi32>], vector<16xi32>, vector<16xi1>
      tpu.vector_store_idx %arg28[%sub3A_127], %get3A_110 masked %lt3A_112 : memref<144xi32, #tpu.memory_space<vmem>>[vector<16xi32>], vector<16xi32>, vector<16xi1>
      %slice3A = vector.extract_strided_slice %masked_cumsum3A {offsets = [15], sizes = [1], strides = [1]} : vector<16xi32> to vector<1xi32>
      %squeeze3A = vector.extract %slice3A[0] : i32 from vector<1xi32>
      %add3A_128 = arith.addi %scan3A_101, %squeeze3A : i32
      scf.yield %add3A_128 : i32
    }
    %scan3A_39 = arith.constant 8 : i32
    %swap3A_40 = arith.constant 2 : i32
    %swap3A_41 = arith.index_cast %swap3A_40 : i32 to index
    %swap3A_42 = memref.load %arg8[%swap3A_41] : memref<5xi32, #tpu.memory_space<smem>>
    memref.store %scan3A_38, %arg8[%swap3A_41] : memref<5xi32, #tpu.memory_space<smem>>
    %dma_start3A_43 = arith.constant 0 : i32
    %dma_start3A_44 = arith.constant 0 : i32
    %dma_start3A_45 = tpu.memref_slice %arg3[%dma_start3A_43, %dma_start3A_44] : memref<100000x128xf32, #tpu.memory_space<hbm>> -> memref<100000x128xf32, #tpu.memory_space<hbm>>
    tpu.enqueue_indirect_dma source(%dma_start3A_45 : memref<100000x128xf32, #tpu.memory_space<hbm>>) target(%arg18 : memref<128x128xf32, #tpu.memory_space<vmem>>) offsets(%arg13 : memref<128xi32, #tpu.memory_space<vmem>>) semaphore(%arg33 : memref<!tpu.dma_semaphore, #tpu.memory_space<semaphore_mem>>)
    %scan3A_46 = arith.constant 0 : i32
    %scan3A_47 = arith.constant 0 : i32
    %scan3A_48 = arith.constant 8 : i32
    %scan3A_49 = arith.addi %scan3A_47, %scan3A_48 : i32
    %scan3A_50 = arith.constant 1 : i32
    %scan3A_51 = scf.for %scan3A_100 = %scan3A_47 to %scan3A_49 step %scan3A_50 iter_args(%scan3A_101 = %scan3A_46) -> (i32)  : i32 {
      %mul3A_102 = arith.constant 16 : i32
      %mul3A_103 = arith.muli %scan3A_100, %mul3A_102 : i32
      %iota3A = tpu.iota {dimensions = array<i32: 0>} : vector<16xi32>
      %add3A_104 = vector.broadcast %mul3A_103 : i32 to vector<16xi32>
      %add3A_105 = arith.addi %add3A_104, %iota3A : vector<16xi32>
      %mul3A_106 = arith.constant 16 : i32
      %mul3A_107 = arith.muli %scan3A_100, %mul3A_106 : i32
      %get3A = arith.constant 3 : i32
      %get3A_108 = arith.index_cast %get3A : i32 to index
      %get3A_109 = arith.index_cast %mul3A_107 : i32 to index
      %get3A_110 = tpu.vector_load %arg6[%get3A_108, %get3A_109] {strides = array<i32>} : memref<50x128xi32, #tpu.memory_space<vmem>>, vector<16xi32>,
      %lt3A = arith.constant 4 : i32
      %lt3A_111 = vector.broadcast %lt3A : i32 to vector<16xi32>
      %lt3A_112 = arith.cmpi slt, %get3A_110, %lt3A_111 : vector<16xi32>
      %sub3A = arith.constant 4 : i32
      %sub3A_113 = vector.broadcast %sub3A : i32 to vector<16xi32>
      %sub3A_114 = arith.subi %get3A_110, %sub3A_113 : vector<16xi32>
      %jit3A = arith.constant 0 : i32
      %jit3A_115 = arith.constant 99999 : i32
      %max3A = vector.broadcast %jit3A : i32 to vector<16xi32>
      %max3A_116 = arith.maxsi %max3A, %sub3A_114 : vector<16xi32>
      %min3A = vector.broadcast %jit3A_115 : i32 to vector<16xi32>
      %min3A_117 = arith.minsi %min3A, %max3A_116 : vector<16xi32>
      %mul3A_118 = arith.constant 16 : i32
      %mul3A_119 = arith.muli %scan3A_100, %mul3A_118 : i32
      %swap3A_120 = arith.index_cast %mul3A_119 : i32 to index
      %swap3A_121 = tpu.vector_load %arg14[%swap3A_120] {strides = array<i32>} : memref<128xi32, #tpu.memory_space<vmem>>, vector<16xi32>,
      tpu.vector_store %arg14[%swap3A_120], %min3A_117 {strides = array<i32>} : memref<128xi32, #tpu.memory_space<vmem>>, vector<16xi32>,
      %convert_element_type3A = arith.extui %lt3A_112 : vector<16xi1> to vector<16xi32>
      %broadcast_in_dim3A = arith.constant true
      %broadcast_in_dim3A_122 = vector.broadcast %broadcast_in_dim3A : i1 to vector<16xi1>
      %masked_cumsum3A = tpu.scan <sum>, %convert_element_type3A masked %broadcast_in_dim3A_122 : vector<16xi32>, vector<16xi1> -> vector<16xi32>
      %add3A_123 = vector.broadcast %scan3A_101 : i32 to vector<16xi32>
      %add3A_124 = arith.addi %add3A_123, %masked_cumsum3A : vector<16xi32>
      %sub3A_125 = arith.constant 1 : i32
      %sub3A_126 = vector.broadcast %sub3A_125 : i32 to vector<16xi32>
      %sub3A_127 = arith.subi %add3A_124, %sub3A_126 : vector<16xi32>
      tpu.vector_store_idx %arg24[%sub3A_127], %add3A_105 masked %lt3A_112 : memref<144xi32, #tpu.memory_space<vmem>>[vector<16xi32>], vector<16xi32>, vector<16xi1>
      tpu.vector_store_idx %arg29[%sub3A_127], %get3A_110 masked %lt3A_112 : memref<144xi32, #tpu.memory_space<vmem>>[vector<16xi32>], vector<16xi32>, vector<16xi1>
      %slice3A = vector.extract_strided_slice %masked_cumsum3A {offsets = [15], sizes = [1], strides = [1]} : vector<16xi32> to vector<1xi32>
      %squeeze3A = vector.extract %slice3A[0] : i32 from vector<1xi32>
      %add3A_128 = arith.addi %scan3A_101, %squeeze3A : i32
      scf.yield %add3A_128 : i32
    }
    %scan3A_52 = arith.constant 8 : i32
    %swap3A_53 = arith.constant 3 : i32
    %swap3A_54 = arith.index_cast %swap3A_53 : i32 to index
    %swap3A_55 = memref.load %arg8[%swap3A_54] : memref<5xi32, #tpu.memory_space<smem>>
    memref.store %scan3A_51, %arg8[%swap3A_54] : memref<5xi32, #tpu.memory_space<smem>>
    %dma_start3A_56 = arith.constant 0 : i32
    %dma_start3A_57 = arith.constant 0 : i32
    %dma_start3A_58 = tpu.memref_slice %arg3[%dma_start3A_56, %dma_start3A_57] : memref<100000x128xf32, #tpu.memory_space<hbm>> -> memref<100000x128xf32, #tpu.memory_space<hbm>>
    tpu.enqueue_indirect_dma source(%dma_start3A_58 : memref<100000x128xf32, #tpu.memory_space<hbm>>) target(%arg19 : memref<128x128xf32, #tpu.memory_space<vmem>>) offsets(%arg14 : memref<128xi32, #tpu.memory_space<vmem>>) semaphore(%arg34 : memref<!tpu.dma_semaphore, #tpu.memory_space<semaphore_mem>>)
    tpu.wait_dma2 semaphore(%arg9 : memref<!tpu.dma_semaphore, #tpu.memory_space<semaphore_mem>>) src(%arg4 : memref<4x128xf32, #tpu.memory_space<hbm>>) dst(%arg7 : memref<4x128xf32, #tpu.memory_space<vmem>>)
    %scan3A_59 = arith.constant 0 : i32
    %scan3A_60 = arith.constant 0 : i32
    %scan3A_61 = arith.constant 10 : i32
    %scan3A_62 = arith.addi %scan3A_60, %scan3A_61 : i32
    %scan3A_63 = arith.constant 1 : i32
    scf.for %scan3A_100 = %scan3A_60 to %scan3A_62 step %scan3A_63  : i32 {
      %mul3A_101 = arith.constant 5 : i32
      %mul3A_102 = arith.muli %scan3A_100, %mul3A_101 : i32
      %add3A_103 = arith.constant 0 : i32
      %add3A_104 = arith.addi %mul3A_102, %add3A_103 : i32
      %add3A_105 = arith.constant 4 : i32
      %add3A_106 = arith.addi %add3A_104, %add3A_105 : i32
      %lt3A = arith.constant 50 : i32
      %lt3A_107 = arith.cmpi slt, %add3A_106, %lt3A : i32
      %convert_element_type3A = arith.extui %lt3A_107 : i1 to i32
      %cond3A = arith.constant 0 : i32
      %cond3A_108 = arith.cmpi ne, %convert_element_type3A, %cond3A : i32
      scf.if %cond3A_108 {
        %ge3A = arith.constant 5 : i32
        %ge3A_261 = arith.cmpi sge, %add3A_106, %ge3A : i32
        %convert_element_type3A_262 = arith.extui %ge3A_261 : i1 to i32
        %cond3A_263 = arith.constant 0 : i32
        %cond3A_264 = arith.cmpi ne, %convert_element_type3A_262, %cond3A_263 : i32
        scf.if %cond3A_264 {
          %dma_wait3A_278 = arith.constant 0 : i32
          %dma_wait3A_279 = arith.constant 0 : i32
          %dma_wait3A_280 = tpu.memref_slice %arg5[%dma_wait3A_278, %mul3A_2, %dma_wait3A_279] : memref<50x4096x128xf32, #tpu.memory_space<hbm>> -> memref<1x128x128xf32, #tpu.memory_space<hbm>>
          %dma_wait3A_281 = tpu.memref_squeeze %dma_wait3A_280 : memref<1x128x128xf32, #tpu.memory_space<hbm>> -> memref<128x128xf32, #tpu.memory_space<hbm>>
          %dma_wait3A_282 = arith.constant 0 : i32
          %dma_wait3A_283 = tpu.memref_slice %arg5[%dma_wait3A_278, %mul3A_2, %dma_wait3A_282] : memref<50x4096x128xf32, #tpu.memory_space<hbm>> -> memref<1x128x128xf32, #tpu.memory_space<hbm>>
          %dma_wait3A_284 = tpu.memref_squeeze %dma_wait3A_283 : memref<1x128x128xf32, #tpu.memory_space<hbm>> -> memref<128x128xf32, #tpu.memory_space<hbm>>
          tpu.wait_dma2 semaphore(%arg40 : memref<!tpu.dma_semaphore, #tpu.memory_space<semaphore_mem>>) src(%arg20 : memref<128x128xf32, #tpu.memory_space<vmem>>) dst(%dma_wait3A_284 : memref<128x128xf32, #tpu.memory_space<hbm>>)
        } else {
        }
        %scan3A_265 = arith.constant 0 : i32
        %scan3A_266 = arith.constant 0 : i32
        %scan3A_267 = arith.constant 8 : i32
        %scan3A_268 = arith.addi %scan3A_266, %scan3A_267 : i32
        %scan3A_269 = arith.constant 1 : i32
        %scan3A_270 = scf.for %scan3A_278 = %scan3A_266 to %scan3A_268 step %scan3A_269 iter_args(%scan3A_279 = %scan3A_265) -> (i32)  : i32 {
          %mul3A_280 = arith.constant 16 : i32
          %mul3A_281 = arith.muli %scan3A_278, %mul3A_280 : i32
          %iota3A = tpu.iota {dimensions = array<i32: 0>} : vector<16xi32>
          %add3A_282 = vector.broadcast %mul3A_281 : i32 to vector<16xi32>
          %add3A_283 = arith.addi %add3A_282, %iota3A : vector<16xi32>
          %mul3A_284 = arith.constant 16 : i32
          %mul3A_285 = arith.muli %scan3A_278, %mul3A_284 : i32
          %get3A_286 = arith.index_cast %add3A_106 : i32 to index
          %get3A_287 = arith.index_cast %mul3A_285 : i32 to index
          %get3A_288 = tpu.vector_load %arg6[%get3A_286, %get3A_287] {strides = array<i32>} : memref<50x128xi32, #tpu.memory_space<vmem>>, vector<16xi32>,
          %lt3A_289 = arith.constant 4 : i32
          %lt3A_290 = vector.broadcast %lt3A_289 : i32 to vector<16xi32>
          %lt3A_291 = arith.cmpi slt, %get3A_288, %lt3A_290 : vector<16xi32>
          %sub3A = arith.constant 4 : i32
          %sub3A_292 = vector.broadcast %sub3A : i32 to vector<16xi32>
          %sub3A_293 = arith.subi %get3A_288, %sub3A_292 : vector<16xi32>
          %jit3A = arith.constant 0 : i32
          %jit3A_294 = arith.constant 99999 : i32
          %max3A = vector.broadcast %jit3A : i32 to vector<16xi32>
          %max3A_295 = arith.maxsi %max3A, %sub3A_293 : vector<16xi32>
          %min3A = vector.broadcast %jit3A_294 : i32 to vector<16xi32>
          %min3A_296 = arith.minsi %min3A, %max3A_295 : vector<16xi32>
          %mul3A_297 = arith.constant 16 : i32
          %mul3A_298 = arith.muli %scan3A_278, %mul3A_297 : i32
          %swap3A_299 = arith.index_cast %mul3A_298 : i32 to index
          %swap3A_300 = tpu.vector_load %arg15[%swap3A_299] {strides = array<i32>} : memref<128xi32, #tpu.memory_space<vmem>>, vector<16xi32>,
          tpu.vector_store %arg15[%swap3A_299], %min3A_296 {strides = array<i32>} : memref<128xi32, #tpu.memory_space<vmem>>, vector<16xi32>,
          %convert_element_type3A_301 = arith.extui %lt3A_291 : vector<16xi1> to vector<16xi32>
          %broadcast_in_dim3A = arith.constant true
          %broadcast_in_dim3A_302 = vector.broadcast %broadcast_in_dim3A : i1 to vector<16xi1>
          %masked_cumsum3A = tpu.scan <sum>, %convert_element_type3A_301 masked %broadcast_in_dim3A_302 : vector<16xi32>, vector<16xi1> -> vector<16xi32>
          %add3A_303 = vector.broadcast %scan3A_279 : i32 to vector<16xi32>
          %add3A_304 = arith.addi %add3A_303, %masked_cumsum3A : vector<16xi32>
          %sub3A_305 = arith.constant 1 : i32
          %sub3A_306 = vector.broadcast %sub3A_305 : i32 to vector<16xi32>
          %sub3A_307 = arith.subi %add3A_304, %sub3A_306 : vector<16xi32>
          tpu.vector_store_idx %arg25[%sub3A_307], %add3A_283 masked %lt3A_291 : memref<144xi32, #tpu.memory_space<vmem>>[vector<16xi32>], vector<16xi32>, vector<16xi1>
          tpu.vector_store_idx %arg30[%sub3A_307], %get3A_288 masked %lt3A_291 : memref<144xi32, #tpu.memory_space<vmem>>[vector<16xi32>], vector<16xi32>, vector<16xi1>
          %slice3A = vector.extract_strided_slice %masked_cumsum3A {offsets = [15], sizes = [1], strides = [1]} : vector<16xi32> to vector<1xi32>
          %squeeze3A = vector.extract %slice3A[0] : i32 from vector<1xi32>
          %add3A_308 = arith.addi %scan3A_279, %squeeze3A : i32
          scf.yield %add3A_308 : i32
        }
        %scan3A_271 = arith.constant 8 : i32
        %swap3A_272 = arith.constant 4 : i32
        %swap3A_273 = arith.index_cast %swap3A_272 : i32 to index
        %swap3A_274 = memref.load %arg8[%swap3A_273] : memref<5xi32, #tpu.memory_space<smem>>
        memref.store %scan3A_270, %arg8[%swap3A_273] : memref<5xi32, #tpu.memory_space<smem>>
        %dma_start3A_275 = arith.constant 0 : i32
        %dma_start3A_276 = arith.constant 0 : i32
        %dma_start3A_277 = tpu.memref_slice %arg3[%dma_start3A_275, %dma_start3A_276] : memref<100000x128xf32, #tpu.memory_space<hbm>> -> memref<100000x128xf32, #tpu.memory_space<hbm>>
        tpu.enqueue_indirect_dma source(%dma_start3A_277 : memref<100000x128xf32, #tpu.memory_space<hbm>>) target(%arg20 : memref<128x128xf32, #tpu.memory_space<vmem>>) offsets(%arg15 : memref<128xi32, #tpu.memory_space<vmem>>) semaphore(%arg35 : memref<!tpu.dma_semaphore, #tpu.memory_space<semaphore_mem>>)
      } else {
      }
      %dma_wait3A_109 = arith.constant 0 : i32
      %dma_wait3A_110 = arith.constant 0 : i32
      %dma_wait3A_111 = tpu.memref_slice %arg3[%dma_wait3A_109, %dma_wait3A_110] : memref<100000x128xf32, #tpu.memory_space<hbm>> -> memref<100000x128xf32, #tpu.memory_space<hbm>>
      tpu.wait_indirect_dma semaphore(%arg31 : memref<!tpu.dma_semaphore, #tpu.memory_space<semaphore_mem>>) src(%dma_wait3A_111 : memref<100000x128xf32, #tpu.memory_space<hbm>>) dst(%arg16 : memref<128x128xf32, #tpu.memory_space<vmem>>)
      %get3A = arith.constant 0 : i32
      %get3A_112 = arith.index_cast %get3A : i32 to index
      %get3A_113 = memref.load %arg8[%get3A_112] : memref<5xi32, #tpu.memory_space<smem>>
      %while3A = arith.constant 0 : i32
      %while3A_114 = arith.constant 0 : i32
      %while3A_115 = arith.subi %get3A_113, %while3A_114 : i32
      %while3A_116 = arith.addi %while3A_114, %while3A_115 : i32
      %while3A_117 = arith.constant 1 : i32
      %while3A_118 = arith.divsi %while3A_115, %while3A_117 : i32
      %while3A_119 = arith.muli %while3A_118, %while3A_117 : i32
      %while3A_120 = arith.addi %while3A_114, %while3A_119 : i32
      %while3A_121 = arith.constant 1 : i32
      scf.for %while3A_261 = %while3A_114 to %while3A_120 step %while3A_121  : i32 {
        %get3A_262 = arith.index_cast %while3A_261 : i32 to index
        %get3A_263 = tpu.vector_load %arg21[%get3A_262] {strides = array<i32>} : memref<144xi32, #tpu.memory_space<vmem>>, vector<16xi32>,
        %slice3A = vector.extract_strided_slice %get3A_263 {offsets = [0], sizes = [1], strides = [1]} : vector<16xi32> to vector<1xi32>
        %squeeze3A = vector.extract %slice3A[0] : i32 from vector<1xi32>
        %get3A_264 = arith.index_cast %while3A_261 : i32 to index
        %get3A_265 = tpu.vector_load %arg26[%get3A_264] {strides = array<i32>} : memref<144xi32, #tpu.memory_space<vmem>>, vector<16xi32>,
        %slice3A_266 = vector.extract_strided_slice %get3A_265 {offsets = [0], sizes = [1], strides = [1]} : vector<16xi32> to vector<1xi32>
        %squeeze3A_267 = vector.extract %slice3A_266[0] : i32 from vector<1xi32>
        %max3A = arith.constant 0 : i32
        %max3A_268 = arith.maxsi %squeeze3A_267, %max3A : i32
        %scan3A_269 = arith.constant 0 : i32
        %scan3A_270 = arith.constant 8 : i32
        %scan3A_271 = arith.addi %scan3A_269, %scan3A_270 : i32
        %scan3A_272 = arith.constant 1 : i32
        scf.for %scan3A_274 = %scan3A_269 to %scan3A_271 step %scan3A_272  : i32 {
          %mul3A_275 = arith.constant 16 : i32
          %mul3A_276 = arith.muli %scan3A_274, %mul3A_275 : i32
          %get3A_277 = arith.index_cast %max3A_268 : i32 to index
          %get3A_278 = arith.index_cast %mul3A_276 : i32 to index
          %get3A_279 = tpu.vector_load %arg7[%get3A_277, %get3A_278] {strides = array<i32>} : memref<4x128xf32, #tpu.memory_space<vmem>>, vector<16xf32>,
          %mul3A_280 = arith.constant 16 : i32
          %mul3A_281 = arith.muli %scan3A_274, %mul3A_280 : i32
          %swap3A_282 = arith.index_cast %squeeze3A : i32 to index
          %swap3A_283 = arith.index_cast %mul3A_281 : i32 to index
          %swap3A_284 = tpu.vector_load %arg16[%swap3A_282, %swap3A_283] {strides = array<i32>} : memref<128x128xf32, #tpu.memory_space<vmem>>, vector<16xf32>,
          tpu.vector_store %arg16[%swap3A_282, %swap3A_283], %get3A_279 {strides = array<i32>} : memref<128x128xf32, #tpu.memory_space<vmem>>, vector<16xf32>,
        }
        %scan3A_273 = arith.constant 8 : i32
      }
      %while3A_122 = arith.constant 1 : i32
      scf.for %while3A_261 = %while3A_120 to %while3A_116 step %while3A_122  : i32 {
        %get3A_262 = arith.index_cast %while3A_261 : i32 to index
        %get3A_263 = tpu.vector_load %arg21[%get3A_262] {strides = array<i32>} : memref<144xi32, #tpu.memory_space<vmem>>, vector<16xi32>,
        %slice3A = vector.extract_strided_slice %get3A_263 {offsets = [0], sizes = [1], strides = [1]} : vector<16xi32> to vector<1xi32>
        %squeeze3A = vector.extract %slice3A[0] : i32 from vector<1xi32>
        %get3A_264 = arith.index_cast %while3A_261 : i32 to index
        %get3A_265 = tpu.vector_load %arg26[%get3A_264] {strides = array<i32>} : memref<144xi32, #tpu.memory_space<vmem>>, vector<16xi32>,
        %slice3A_266 = vector.extract_strided_slice %get3A_265 {offsets = [0], sizes = [1], strides = [1]} : vector<16xi32> to vector<1xi32>
        %squeeze3A_267 = vector.extract %slice3A_266[0] : i32 from vector<1xi32>
        %max3A = arith.constant 0 : i32
        %max3A_268 = arith.maxsi %squeeze3A_267, %max3A : i32
        %scan3A_269 = arith.constant 0 : i32
        %scan3A_270 = arith.constant 8 : i32
        %scan3A_271 = arith.addi %scan3A_269, %scan3A_270 : i32
        %scan3A_272 = arith.constant 1 : i32
        scf.for %scan3A_274 = %scan3A_269 to %scan3A_271 step %scan3A_272  : i32 {
          %mul3A_275 = arith.constant 16 : i32
          %mul3A_276 = arith.muli %scan3A_274, %mul3A_275 : i32
          %get3A_277 = arith.index_cast %max3A_268 : i32 to index
          %get3A_278 = arith.index_cast %mul3A_276 : i32 to index
          %get3A_279 = tpu.vector_load %arg7[%get3A_277, %get3A_278] {strides = array<i32>} : memref<4x128xf32, #tpu.memory_space<vmem>>, vector<16xf32>,
          %mul3A_280 = arith.constant 16 : i32
          %mul3A_281 = arith.muli %scan3A_274, %mul3A_280 : i32
          %swap3A_282 = arith.index_cast %squeeze3A : i32 to index
          %swap3A_283 = arith.index_cast %mul3A_281 : i32 to index
          %swap3A_284 = tpu.vector_load %arg16[%swap3A_282, %swap3A_283] {strides = array<i32>} : memref<128x128xf32, #tpu.memory_space<vmem>>, vector<16xf32>,
          tpu.vector_store %arg16[%swap3A_282, %swap3A_283], %get3A_279 {strides = array<i32>} : memref<128x128xf32, #tpu.memory_space<vmem>>, vector<16xf32>,
        }
        %scan3A_273 = arith.constant 8 : i32
      }
      %dma_start3A_123 = arith.constant 0 : i32
      %dma_start3A_124 = tpu.memref_slice %arg5[%add3A_104, %mul3A_2, %dma_start3A_123] : memref<50x4096x128xf32, #tpu.memory_space<hbm>> -> memref<1x128x128xf32, #tpu.memory_space<hbm>>
      %dma_start3A_125 = tpu.memref_squeeze %dma_start3A_124 : memref<1x128x128xf32, #tpu.memory_space<hbm>> -> memref<128x128xf32, #tpu.memory_space<hbm>>
      %dma_start3A_126 = arith.constant 0 : i32
      %dma_start3A_127 = tpu.memref_slice %arg5[%add3A_104, %mul3A_2, %dma_start3A_126] : memref<50x4096x128xf32, #tpu.memory_space<hbm>> -> memref<1x128x128xf32, #tpu.memory_space<hbm>>
      %dma_start3A_128 = tpu.memref_squeeze %dma_start3A_127 : memref<1x128x128xf32, #tpu.memory_space<hbm>> -> memref<128x128xf32, #tpu.memory_space<hbm>>
      tpu.enqueue_dma source(%arg16 : memref<128x128xf32, #tpu.memory_space<vmem>>) target(%dma_start3A_128 : memref<128x128xf32, #tpu.memory_space<hbm>>) target_semaphore(%arg36 : memref<!tpu.dma_semaphore, #tpu.memory_space<semaphore_mem>>)
      %mul3A_129 = arith.constant 5 : i32
      %mul3A_130 = arith.muli %scan3A_100, %mul3A_129 : i32
      %add3A_131 = arith.constant 1 : i32
      %add3A_132 = arith.addi %mul3A_130, %add3A_131 : i32
      %add3A_133 = arith.constant 4 : i32
      %add3A_134 = arith.addi %add3A_132, %add3A_133 : i32
      %lt3A_135 = arith.constant 50 : i32
      %lt3A_136 = arith.cmpi slt, %add3A_134, %lt3A_135 : i32
      %convert_element_type3A_137 = arith.extui %lt3A_136 : i1 to i32
      %cond3A_138 = arith.constant 0 : i32
      %cond3A_139 = arith.cmpi ne, %convert_element_type3A_137, %cond3A_138 : i32
      scf.if %cond3A_139 {
        %ge3A = arith.constant 5 : i32
        %ge3A_261 = arith.cmpi sge, %add3A_134, %ge3A : i32
        %convert_element_type3A_262 = arith.extui %ge3A_261 : i1 to i32
        %cond3A_263 = arith.constant 0 : i32
        %cond3A_264 = arith.cmpi ne, %convert_element_type3A_262, %cond3A_263 : i32
        scf.if %cond3A_264 {
          %dma_wait3A_278 = arith.constant 0 : i32
          %dma_wait3A_279 = arith.constant 0 : i32
          %dma_wait3A_280 = tpu.memref_slice %arg5[%dma_wait3A_278, %mul3A_2, %dma_wait3A_279] : memref<50x4096x128xf32, #tpu.memory_space<hbm>> -> memref<1x128x128xf32, #tpu.memory_space<hbm>>
          %dma_wait3A_281 = tpu.memref_squeeze %dma_wait3A_280 : memref<1x128x128xf32, #tpu.memory_space<hbm>> -> memref<128x128xf32, #tpu.memory_space<hbm>>
          %dma_wait3A_282 = arith.constant 0 : i32
          %dma_wait3A_283 = tpu.memref_slice %arg5[%dma_wait3A_278, %mul3A_2, %dma_wait3A_282] : memref<50x4096x128xf32, #tpu.memory_space<hbm>> -> memref<1x128x128xf32, #tpu.memory_space<hbm>>
          %dma_wait3A_284 = tpu.memref_squeeze %dma_wait3A_283 : memref<1x128x128xf32, #tpu.memory_space<hbm>> -> memref<128x128xf32, #tpu.memory_space<hbm>>
          tpu.wait_dma2 semaphore(%arg36 : memref<!tpu.dma_semaphore, #tpu.memory_space<semaphore_mem>>) src(%arg16 : memref<128x128xf32, #tpu.memory_space<vmem>>) dst(%dma_wait3A_284 : memref<128x128xf32, #tpu.memory_space<hbm>>)
        } else {
        }
        %scan3A_265 = arith.constant 0 : i32
        %scan3A_266 = arith.constant 0 : i32
        %scan3A_267 = arith.constant 8 : i32
        %scan3A_268 = arith.addi %scan3A_266, %scan3A_267 : i32
        %scan3A_269 = arith.constant 1 : i32
        %scan3A_270 = scf.for %scan3A_278 = %scan3A_266 to %scan3A_268 step %scan3A_269 iter_args(%scan3A_279 = %scan3A_265) -> (i32)  : i32 {
          %mul3A_280 = arith.constant 16 : i32
          %mul3A_281 = arith.muli %scan3A_278, %mul3A_280 : i32
          %iota3A = tpu.iota {dimensions = array<i32: 0>} : vector<16xi32>
          %add3A_282 = vector.broadcast %mul3A_281 : i32 to vector<16xi32>
          %add3A_283 = arith.addi %add3A_282, %iota3A : vector<16xi32>
          %mul3A_284 = arith.constant 16 : i32
          %mul3A_285 = arith.muli %scan3A_278, %mul3A_284 : i32
          %get3A_286 = arith.index_cast %add3A_134 : i32 to index
          %get3A_287 = arith.index_cast %mul3A_285 : i32 to index
          %get3A_288 = tpu.vector_load %arg6[%get3A_286, %get3A_287] {strides = array<i32>} : memref<50x128xi32, #tpu.memory_space<vmem>>, vector<16xi32>,
          %lt3A_289 = arith.constant 4 : i32
          %lt3A_290 = vector.broadcast %lt3A_289 : i32 to vector<16xi32>
          %lt3A_291 = arith.cmpi slt, %get3A_288, %lt3A_290 : vector<16xi32>
          %sub3A = arith.constant 4 : i32
          %sub3A_292 = vector.broadcast %sub3A : i32 to vector<16xi32>
          %sub3A_293 = arith.subi %get3A_288, %sub3A_292 : vector<16xi32>
          %jit3A = arith.constant 0 : i32
          %jit3A_294 = arith.constant 99999 : i32
          %max3A = vector.broadcast %jit3A : i32 to vector<16xi32>
          %max3A_295 = arith.maxsi %max3A, %sub3A_293 : vector<16xi32>
          %min3A = vector.broadcast %jit3A_294 : i32 to vector<16xi32>
          %min3A_296 = arith.minsi %min3A, %max3A_295 : vector<16xi32>
          %mul3A_297 = arith.constant 16 : i32
          %mul3A_298 = arith.muli %scan3A_278, %mul3A_297 : i32
          %swap3A_299 = arith.index_cast %mul3A_298 : i32 to index
          %swap3A_300 = tpu.vector_load %arg11[%swap3A_299] {strides = array<i32>} : memref<128xi32, #tpu.memory_space<vmem>>, vector<16xi32>,
          tpu.vector_store %arg11[%swap3A_299], %min3A_296 {strides = array<i32>} : memref<128xi32, #tpu.memory_space<vmem>>, vector<16xi32>,
          %convert_element_type3A_301 = arith.extui %lt3A_291 : vector<16xi1> to vector<16xi32>
          %broadcast_in_dim3A = arith.constant true
          %broadcast_in_dim3A_302 = vector.broadcast %broadcast_in_dim3A : i1 to vector<16xi1>
          %masked_cumsum3A = tpu.scan <sum>, %convert_element_type3A_301 masked %broadcast_in_dim3A_302 : vector<16xi32>, vector<16xi1> -> vector<16xi32>
          %add3A_303 = vector.broadcast %scan3A_279 : i32 to vector<16xi32>
          %add3A_304 = arith.addi %add3A_303, %masked_cumsum3A : vector<16xi32>
          %sub3A_305 = arith.constant 1 : i32
          %sub3A_306 = vector.broadcast %sub3A_305 : i32 to vector<16xi32>
          %sub3A_307 = arith.subi %add3A_304, %sub3A_306 : vector<16xi32>
          tpu.vector_store_idx %arg21[%sub3A_307], %add3A_283 masked %lt3A_291 : memref<144xi32, #tpu.memory_space<vmem>>[vector<16xi32>], vector<16xi32>, vector<16xi1>
          tpu.vector_store_idx %arg26[%sub3A_307], %get3A_288 masked %lt3A_291 : memref<144xi32, #tpu.memory_space<vmem>>[vector<16xi32>], vector<16xi32>, vector<16xi1>
          %slice3A = vector.extract_strided_slice %masked_cumsum3A {offsets = [15], sizes = [1], strides = [1]} : vector<16xi32> to vector<1xi32>
          %squeeze3A = vector.extract %slice3A[0] : i32 from vector<1xi32>
          %add3A_308 = arith.addi %scan3A_279, %squeeze3A : i32
          scf.yield %add3A_308 : i32
        }
        %scan3A_271 = arith.constant 8 : i32
        %swap3A_272 = arith.constant 0 : i32
        %swap3A_273 = arith.index_cast %swap3A_272 : i32 to index
        %swap3A_274 = memref.load %arg8[%swap3A_273] : memref<5xi32, #tpu.memory_space<smem>>
        memref.store %scan3A_270, %arg8[%swap3A_273] : memref<5xi32, #tpu.memory_space<smem>>
        %dma_start3A_275 = arith.constant 0 : i32
        %dma_start3A_276 = arith.constant 0 : i32
        %dma_start3A_277 = tpu.memref_slice %arg3[%dma_start3A_275, %dma_start3A_276] : memref<100000x128xf32, #tpu.memory_space<hbm>> -> memref<100000x128xf32, #tpu.memory_space<hbm>>
        tpu.enqueue_indirect_dma source(%dma_start3A_277 : memref<100000x128xf32, #tpu.memory_space<hbm>>) target(%arg16 : memref<128x128xf32, #tpu.memory_space<vmem>>) offsets(%arg11 : memref<128xi32, #tpu.memory_space<vmem>>) semaphore(%arg31 : memref<!tpu.dma_semaphore, #tpu.memory_space<semaphore_mem>>)
      } else {
      }
      %dma_wait3A_140 = arith.constant 0 : i32
      %dma_wait3A_141 = arith.constant 0 : i32
      %dma_wait3A_142 = tpu.memref_slice %arg3[%dma_wait3A_140, %dma_wait3A_141] : memref<100000x128xf32, #tpu.memory_space<hbm>> -> memref<100000x128xf32, #tpu.memory_space<hbm>>
      tpu.wait_indirect_dma semaphore(%arg32 : memref<!tpu.dma_semaphore, #tpu.memory_space<semaphore_mem>>) src(%dma_wait3A_142 : memref<100000x128xf32, #tpu.memory_space<hbm>>) dst(%arg17 : memref<128x128xf32, #tpu.memory_space<vmem>>)
      %get3A_143 = arith.constant 1 : i32
      %get3A_144 = arith.index_cast %get3A_143 : i32 to index
      %get3A_145 = memref.load %arg8[%get3A_144] : memref<5xi32, #tpu.memory_space<smem>>
      %while3A_146 = arith.constant 0 : i32
      %while3A_147 = arith.constant 0 : i32
      %while3A_148 = arith.subi %get3A_145, %while3A_147 : i32
      %while3A_149 = arith.addi %while3A_147, %while3A_148 : i32
      %while3A_150 = arith.constant 1 : i32
      %while3A_151 = arith.divsi %while3A_148, %while3A_150 : i32
      %while3A_152 = arith.muli %while3A_151, %while3A_150 : i32
      %while3A_153 = arith.addi %while3A_147, %while3A_152 : i32
      %while3A_154 = arith.constant 1 : i32
      scf.for %while3A_261 = %while3A_147 to %while3A_153 step %while3A_154  : i32 {
        %get3A_262 = arith.index_cast %while3A_261 : i32 to index
        %get3A_263 = tpu.vector_load %arg22[%get3A_262] {strides = array<i32>} : memref<144xi32, #tpu.memory_space<vmem>>, vector<16xi32>,
        %slice3A = vector.extract_strided_slice %get3A_263 {offsets = [0], sizes = [1], strides = [1]} : vector<16xi32> to vector<1xi32>
        %squeeze3A = vector.extract %slice3A[0] : i32 from vector<1xi32>
        %get3A_264 = arith.index_cast %while3A_261 : i32 to index
        %get3A_265 = tpu.vector_load %arg27[%get3A_264] {strides = array<i32>} : memref<144xi32, #tpu.memory_space<vmem>>, vector<16xi32>,
        %slice3A_266 = vector.extract_strided_slice %get3A_265 {offsets = [0], sizes = [1], strides = [1]} : vector<16xi32> to vector<1xi32>
        %squeeze3A_267 = vector.extract %slice3A_266[0] : i32 from vector<1xi32>
        %max3A = arith.constant 0 : i32
        %max3A_268 = arith.maxsi %squeeze3A_267, %max3A : i32
        %scan3A_269 = arith.constant 0 : i32
        %scan3A_270 = arith.constant 8 : i32
        %scan3A_271 = arith.addi %scan3A_269, %scan3A_270 : i32
        %scan3A_272 = arith.constant 1 : i32
        scf.for %scan3A_274 = %scan3A_269 to %scan3A_271 step %scan3A_272  : i32 {
          %mul3A_275 = arith.constant 16 : i32
          %mul3A_276 = arith.muli %scan3A_274, %mul3A_275 : i32
          %get3A_277 = arith.index_cast %max3A_268 : i32 to index
          %get3A_278 = arith.index_cast %mul3A_276 : i32 to index
          %get3A_279 = tpu.vector_load %arg7[%get3A_277, %get3A_278] {strides = array<i32>} : memref<4x128xf32, #tpu.memory_space<vmem>>, vector<16xf32>,
          %mul3A_280 = arith.constant 16 : i32
          %mul3A_281 = arith.muli %scan3A_274, %mul3A_280 : i32
          %swap3A_282 = arith.index_cast %squeeze3A : i32 to index
          %swap3A_283 = arith.index_cast %mul3A_281 : i32 to index
          %swap3A_284 = tpu.vector_load %arg17[%swap3A_282, %swap3A_283] {strides = array<i32>} : memref<128x128xf32, #tpu.memory_space<vmem>>, vector<16xf32>,
          tpu.vector_store %arg17[%swap3A_282, %swap3A_283], %get3A_279 {strides = array<i32>} : memref<128x128xf32, #tpu.memory_space<vmem>>, vector<16xf32>,
        }
        %scan3A_273 = arith.constant 8 : i32
      }
      %while3A_155 = arith.constant 1 : i32
      scf.for %while3A_261 = %while3A_153 to %while3A_149 step %while3A_155  : i32 {
        %get3A_262 = arith.index_cast %while3A_261 : i32 to index
        %get3A_263 = tpu.vector_load %arg22[%get3A_262] {strides = array<i32>} : memref<144xi32, #tpu.memory_space<vmem>>, vector<16xi32>,
        %slice3A = vector.extract_strided_slice %get3A_263 {offsets = [0], sizes = [1], strides = [1]} : vector<16xi32> to vector<1xi32>
        %squeeze3A = vector.extract %slice3A[0] : i32 from vector<1xi32>
        %get3A_264 = arith.index_cast %while3A_261 : i32 to index
        %get3A_265 = tpu.vector_load %arg27[%get3A_264] {strides = array<i32>} : memref<144xi32, #tpu.memory_space<vmem>>, vector<16xi32>,
        %slice3A_266 = vector.extract_strided_slice %get3A_265 {offsets = [0], sizes = [1], strides = [1]} : vector<16xi32> to vector<1xi32>
        %squeeze3A_267 = vector.extract %slice3A_266[0] : i32 from vector<1xi32>
        %max3A = arith.constant 0 : i32
        %max3A_268 = arith.maxsi %squeeze3A_267, %max3A : i32
        %scan3A_269 = arith.constant 0 : i32
        %scan3A_270 = arith.constant 8 : i32
        %scan3A_271 = arith.addi %scan3A_269, %scan3A_270 : i32
        %scan3A_272 = arith.constant 1 : i32
        scf.for %scan3A_274 = %scan3A_269 to %scan3A_271 step %scan3A_272  : i32 {
          %mul3A_275 = arith.constant 16 : i32
          %mul3A_276 = arith.muli %scan3A_274, %mul3A_275 : i32
          %get3A_277 = arith.index_cast %max3A_268 : i32 to index
          %get3A_278 = arith.index_cast %mul3A_276 : i32 to index
          %get3A_279 = tpu.vector_load %arg7[%get3A_277, %get3A_278] {strides = array<i32>} : memref<4x128xf32, #tpu.memory_space<vmem>>, vector<16xf32>,
          %mul3A_280 = arith.constant 16 : i32
          %mul3A_281 = arith.muli %scan3A_274, %mul3A_280 : i32
          %swap3A_282 = arith.index_cast %squeeze3A : i32 to index
          %swap3A_283 = arith.index_cast %mul3A_281 : i32 to index
          %swap3A_284 = tpu.vector_load %arg17[%swap3A_282, %swap3A_283] {strides = array<i32>} : memref<128x128xf32, #tpu.memory_space<vmem>>, vector<16xf32>,
          tpu.vector_store %arg17[%swap3A_282, %swap3A_283], %get3A_279 {strides = array<i32>} : memref<128x128xf32, #tpu.memory_space<vmem>>, vector<16xf32>,
        }
        %scan3A_273 = arith.constant 8 : i32
      }
      %dma_start3A_156 = arith.constant 0 : i32
      %dma_start3A_157 = tpu.memref_slice %arg5[%add3A_132, %mul3A_2, %dma_start3A_156] : memref<50x4096x128xf32, #tpu.memory_space<hbm>> -> memref<1x128x128xf32, #tpu.memory_space<hbm>>
      %dma_start3A_158 = tpu.memref_squeeze %dma_start3A_157 : memref<1x128x128xf32, #tpu.memory_space<hbm>> -> memref<128x128xf32, #tpu.memory_space<hbm>>
      %dma_start3A_159 = arith.constant 0 : i32
      %dma_start3A_160 = tpu.memref_slice %arg5[%add3A_132, %mul3A_2, %dma_start3A_159] : memref<50x4096x128xf32, #tpu.memory_space<hbm>> -> memref<1x128x128xf32, #tpu.memory_space<hbm>>
      %dma_start3A_161 = tpu.memref_squeeze %dma_start3A_160 : memref<1x128x128xf32, #tpu.memory_space<hbm>> -> memref<128x128xf32, #tpu.memory_space<hbm>>
      tpu.enqueue_dma source(%arg17 : memref<128x128xf32, #tpu.memory_space<vmem>>) target(%dma_start3A_161 : memref<128x128xf32, #tpu.memory_space<hbm>>) target_semaphore(%arg37 : memref<!tpu.dma_semaphore, #tpu.memory_space<semaphore_mem>>)
      %mul3A_162 = arith.constant 5 : i32
      %mul3A_163 = arith.muli %scan3A_100, %mul3A_162 : i32
      %add3A_164 = arith.constant 2 : i32
      %add3A_165 = arith.addi %mul3A_163, %add3A_164 : i32
      %add3A_166 = arith.constant 4 : i32
      %add3A_167 = arith.addi %add3A_165, %add3A_166 : i32
      %lt3A_168 = arith.constant 50 : i32
      %lt3A_169 = arith.cmpi slt, %add3A_167, %lt3A_168 : i32
      %convert_element_type3A_170 = arith.extui %lt3A_169 : i1 to i32
      %cond3A_171 = arith.constant 0 : i32
      %cond3A_172 = arith.cmpi ne, %convert_element_type3A_170, %cond3A_171 : i32
      scf.if %cond3A_172 {
        %ge3A = arith.constant 5 : i32
        %ge3A_261 = arith.cmpi sge, %add3A_167, %ge3A : i32
        %convert_element_type3A_262 = arith.extui %ge3A_261 : i1 to i32
        %cond3A_263 = arith.constant 0 : i32
        %cond3A_264 = arith.cmpi ne, %convert_element_type3A_262, %cond3A_263 : i32
        scf.if %cond3A_264 {
          %dma_wait3A_278 = arith.constant 0 : i32
          %dma_wait3A_279 = arith.constant 0 : i32
          %dma_wait3A_280 = tpu.memref_slice %arg5[%dma_wait3A_278, %mul3A_2, %dma_wait3A_279] : memref<50x4096x128xf32, #tpu.memory_space<hbm>> -> memref<1x128x128xf32, #tpu.memory_space<hbm>>
          %dma_wait3A_281 = tpu.memref_squeeze %dma_wait3A_280 : memref<1x128x128xf32, #tpu.memory_space<hbm>> -> memref<128x128xf32, #tpu.memory_space<hbm>>
          %dma_wait3A_282 = arith.constant 0 : i32
          %dma_wait3A_283 = tpu.memref_slice %arg5[%dma_wait3A_278, %mul3A_2, %dma_wait3A_282] : memref<50x4096x128xf32, #tpu.memory_space<hbm>> -> memref<1x128x128xf32, #tpu.memory_space<hbm>>
          %dma_wait3A_284 = tpu.memref_squeeze %dma_wait3A_283 : memref<1x128x128xf32, #tpu.memory_space<hbm>> -> memref<128x128xf32, #tpu.memory_space<hbm>>
          tpu.wait_dma2 semaphore(%arg37 : memref<!tpu.dma_semaphore, #tpu.memory_space<semaphore_mem>>) src(%arg17 : memref<128x128xf32, #tpu.memory_space<vmem>>) dst(%dma_wait3A_284 : memref<128x128xf32, #tpu.memory_space<hbm>>)
        } else {
        }
        %scan3A_265 = arith.constant 0 : i32
        %scan3A_266 = arith.constant 0 : i32
        %scan3A_267 = arith.constant 8 : i32
        %scan3A_268 = arith.addi %scan3A_266, %scan3A_267 : i32
        %scan3A_269 = arith.constant 1 : i32
        %scan3A_270 = scf.for %scan3A_278 = %scan3A_266 to %scan3A_268 step %scan3A_269 iter_args(%scan3A_279 = %scan3A_265) -> (i32)  : i32 {
          %mul3A_280 = arith.constant 16 : i32
          %mul3A_281 = arith.muli %scan3A_278, %mul3A_280 : i32
          %iota3A = tpu.iota {dimensions = array<i32: 0>} : vector<16xi32>
          %add3A_282 = vector.broadcast %mul3A_281 : i32 to vector<16xi32>
          %add3A_283 = arith.addi %add3A_282, %iota3A : vector<16xi32>
          %mul3A_284 = arith.constant 16 : i32
          %mul3A_285 = arith.muli %scan3A_278, %mul3A_284 : i32
          %get3A_286 = arith.index_cast %add3A_167 : i32 to index
          %get3A_287 = arith.index_cast %mul3A_285 : i32 to index
          %get3A_288 = tpu.vector_load %arg6[%get3A_286, %get3A_287] {strides = array<i32>} : memref<50x128xi32, #tpu.memory_space<vmem>>, vector<16xi32>,
          %lt3A_289 = arith.constant 4 : i32
          %lt3A_290 = vector.broadcast %lt3A_289 : i32 to vector<16xi32>
          %lt3A_291 = arith.cmpi slt, %get3A_288, %lt3A_290 : vector<16xi32>
          %sub3A = arith.constant 4 : i32
          %sub3A_292 = vector.broadcast %sub3A : i32 to vector<16xi32>
          %sub3A_293 = arith.subi %get3A_288, %sub3A_292 : vector<16xi32>
          %jit3A = arith.constant 0 : i32
          %jit3A_294 = arith.constant 99999 : i32
          %max3A = vector.broadcast %jit3A : i32 to vector<16xi32>
          %max3A_295 = arith.maxsi %max3A, %sub3A_293 : vector<16xi32>
          %min3A = vector.broadcast %jit3A_294 : i32 to vector<16xi32>
          %min3A_296 = arith.minsi %min3A, %max3A_295 : vector<16xi32>
          %mul3A_297 = arith.constant 16 : i32
          %mul3A_298 = arith.muli %scan3A_278, %mul3A_297 : i32
          %swap3A_299 = arith.index_cast %mul3A_298 : i32 to index
          %swap3A_300 = tpu.vector_load %arg12[%swap3A_299] {strides = array<i32>} : memref<128xi32, #tpu.memory_space<vmem>>, vector<16xi32>,
          tpu.vector_store %arg12[%swap3A_299], %min3A_296 {strides = array<i32>} : memref<128xi32, #tpu.memory_space<vmem>>, vector<16xi32>,
          %convert_element_type3A_301 = arith.extui %lt3A_291 : vector<16xi1> to vector<16xi32>
          %broadcast_in_dim3A = arith.constant true
          %broadcast_in_dim3A_302 = vector.broadcast %broadcast_in_dim3A : i1 to vector<16xi1>
          %masked_cumsum3A = tpu.scan <sum>, %convert_element_type3A_301 masked %broadcast_in_dim3A_302 : vector<16xi32>, vector<16xi1> -> vector<16xi32>
          %add3A_303 = vector.broadcast %scan3A_279 : i32 to vector<16xi32>
          %add3A_304 = arith.addi %add3A_303, %masked_cumsum3A : vector<16xi32>
          %sub3A_305 = arith.constant 1 : i32
          %sub3A_306 = vector.broadcast %sub3A_305 : i32 to vector<16xi32>
          %sub3A_307 = arith.subi %add3A_304, %sub3A_306 : vector<16xi32>
          tpu.vector_store_idx %arg22[%sub3A_307], %add3A_283 masked %lt3A_291 : memref<144xi32, #tpu.memory_space<vmem>>[vector<16xi32>], vector<16xi32>, vector<16xi1>
          tpu.vector_store_idx %arg27[%sub3A_307], %get3A_288 masked %lt3A_291 : memref<144xi32, #tpu.memory_space<vmem>>[vector<16xi32>], vector<16xi32>, vector<16xi1>
          %slice3A = vector.extract_strided_slice %masked_cumsum3A {offsets = [15], sizes = [1], strides = [1]} : vector<16xi32> to vector<1xi32>
          %squeeze3A = vector.extract %slice3A[0] : i32 from vector<1xi32>
          %add3A_308 = arith.addi %scan3A_279, %squeeze3A : i32
          scf.yield %add3A_308 : i32
        }
        %scan3A_271 = arith.constant 8 : i32
        %swap3A_272 = arith.constant 1 : i32
        %swap3A_273 = arith.index_cast %swap3A_272 : i32 to index
        %swap3A_274 = memref.load %arg8[%swap3A_273] : memref<5xi32, #tpu.memory_space<smem>>
        memref.store %scan3A_270, %arg8[%swap3A_273] : memref<5xi32, #tpu.memory_space<smem>>
        %dma_start3A_275 = arith.constant 0 : i32
        %dma_start3A_276 = arith.constant 0 : i32
        %dma_start3A_277 = tpu.memref_slice %arg3[%dma_start3A_275, %dma_start3A_276] : memref<100000x128xf32, #tpu.memory_space<hbm>> -> memref<100000x128xf32, #tpu.memory_space<hbm>>
        tpu.enqueue_indirect_dma source(%dma_start3A_277 : memref<100000x128xf32, #tpu.memory_space<hbm>>) target(%arg17 : memref<128x128xf32, #tpu.memory_space<vmem>>) offsets(%arg12 : memref<128xi32, #tpu.memory_space<vmem>>) semaphore(%arg32 : memref<!tpu.dma_semaphore, #tpu.memory_space<semaphore_mem>>)
      } else {
      }
      %dma_wait3A_173 = arith.constant 0 : i32
      %dma_wait3A_174 = arith.constant 0 : i32
      %dma_wait3A_175 = tpu.memref_slice %arg3[%dma_wait3A_173, %dma_wait3A_174] : memref<100000x128xf32, #tpu.memory_space<hbm>> -> memref<100000x128xf32, #tpu.memory_space<hbm>>
      tpu.wait_indirect_dma semaphore(%arg33 : memref<!tpu.dma_semaphore, #tpu.memory_space<semaphore_mem>>) src(%dma_wait3A_175 : memref<100000x128xf32, #tpu.memory_space<hbm>>) dst(%arg18 : memref<128x128xf32, #tpu.memory_space<vmem>>)
      %get3A_176 = arith.constant 2 : i32
      %get3A_177 = arith.index_cast %get3A_176 : i32 to index
      %get3A_178 = memref.load %arg8[%get3A_177] : memref<5xi32, #tpu.memory_space<smem>>
      %while3A_179 = arith.constant 0 : i32
      %while3A_180 = arith.constant 0 : i32
      %while3A_181 = arith.subi %get3A_178, %while3A_180 : i32
      %while3A_182 = arith.addi %while3A_180, %while3A_181 : i32
      %while3A_183 = arith.constant 1 : i32
      %while3A_184 = arith.divsi %while3A_181, %while3A_183 : i32
      %while3A_185 = arith.muli %while3A_184, %while3A_183 : i32
      %while3A_186 = arith.addi %while3A_180, %while3A_185 : i32
      %while3A_187 = arith.constant 1 : i32
      scf.for %while3A_261 = %while3A_180 to %while3A_186 step %while3A_187  : i32 {
        %get3A_262 = arith.index_cast %while3A_261 : i32 to index
        %get3A_263 = tpu.vector_load %arg23[%get3A_262] {strides = array<i32>} : memref<144xi32, #tpu.memory_space<vmem>>, vector<16xi32>,
        %slice3A = vector.extract_strided_slice %get3A_263 {offsets = [0], sizes = [1], strides = [1]} : vector<16xi32> to vector<1xi32>
        %squeeze3A = vector.extract %slice3A[0] : i32 from vector<1xi32>
        %get3A_264 = arith.index_cast %while3A_261 : i32 to index
        %get3A_265 = tpu.vector_load %arg28[%get3A_264] {strides = array<i32>} : memref<144xi32, #tpu.memory_space<vmem>>, vector<16xi32>,
        %slice3A_266 = vector.extract_strided_slice %get3A_265 {offsets = [0], sizes = [1], strides = [1]} : vector<16xi32> to vector<1xi32>
        %squeeze3A_267 = vector.extract %slice3A_266[0] : i32 from vector<1xi32>
        %max3A = arith.constant 0 : i32
        %max3A_268 = arith.maxsi %squeeze3A_267, %max3A : i32
        %scan3A_269 = arith.constant 0 : i32
        %scan3A_270 = arith.constant 8 : i32
        %scan3A_271 = arith.addi %scan3A_269, %scan3A_270 : i32
        %scan3A_272 = arith.constant 1 : i32
        scf.for %scan3A_274 = %scan3A_269 to %scan3A_271 step %scan3A_272  : i32 {
          %mul3A_275 = arith.constant 16 : i32
          %mul3A_276 = arith.muli %scan3A_274, %mul3A_275 : i32
          %get3A_277 = arith.index_cast %max3A_268 : i32 to index
          %get3A_278 = arith.index_cast %mul3A_276 : i32 to index
          %get3A_279 = tpu.vector_load %arg7[%get3A_277, %get3A_278] {strides = array<i32>} : memref<4x128xf32, #tpu.memory_space<vmem>>, vector<16xf32>,
          %mul3A_280 = arith.constant 16 : i32
          %mul3A_281 = arith.muli %scan3A_274, %mul3A_280 : i32
          %swap3A_282 = arith.index_cast %squeeze3A : i32 to index
          %swap3A_283 = arith.index_cast %mul3A_281 : i32 to index
          %swap3A_284 = tpu.vector_load %arg18[%swap3A_282, %swap3A_283] {strides = array<i32>} : memref<128x128xf32, #tpu.memory_space<vmem>>, vector<16xf32>,
          tpu.vector_store %arg18[%swap3A_282, %swap3A_283], %get3A_279 {strides = array<i32>} : memref<128x128xf32, #tpu.memory_space<vmem>>, vector<16xf32>,
        }
        %scan3A_273 = arith.constant 8 : i32
      }
      %while3A_188 = arith.constant 1 : i32
      scf.for %while3A_261 = %while3A_186 to %while3A_182 step %while3A_188  : i32 {
        %get3A_262 = arith.index_cast %while3A_261 : i32 to index
        %get3A_263 = tpu.vector_load %arg23[%get3A_262] {strides = array<i32>} : memref<144xi32, #tpu.memory_space<vmem>>, vector<16xi32>,
        %slice3A = vector.extract_strided_slice %get3A_263 {offsets = [0], sizes = [1], strides = [1]} : vector<16xi32> to vector<1xi32>
        %squeeze3A = vector.extract %slice3A[0] : i32 from vector<1xi32>
        %get3A_264 = arith.index_cast %while3A_261 : i32 to index
        %get3A_265 = tpu.vector_load %arg28[%get3A_264] {strides = array<i32>} : memref<144xi32, #tpu.memory_space<vmem>>, vector<16xi32>,
        %slice3A_266 = vector.extract_strided_slice %get3A_265 {offsets = [0], sizes = [1], strides = [1]} : vector<16xi32> to vector<1xi32>
        %squeeze3A_267 = vector.extract %slice3A_266[0] : i32 from vector<1xi32>
        %max3A = arith.constant 0 : i32
        %max3A_268 = arith.maxsi %squeeze3A_267, %max3A : i32
        %scan3A_269 = arith.constant 0 : i32
        %scan3A_270 = arith.constant 8 : i32
        %scan3A_271 = arith.addi %scan3A_269, %scan3A_270 : i32
        %scan3A_272 = arith.constant 1 : i32
        scf.for %scan3A_274 = %scan3A_269 to %scan3A_271 step %scan3A_272  : i32 {
          %mul3A_275 = arith.constant 16 : i32
          %mul3A_276 = arith.muli %scan3A_274, %mul3A_275 : i32
          %get3A_277 = arith.index_cast %max3A_268 : i32 to index
          %get3A_278 = arith.index_cast %mul3A_276 : i32 to index
          %get3A_279 = tpu.vector_load %arg7[%get3A_277, %get3A_278] {strides = array<i32>} : memref<4x128xf32, #tpu.memory_space<vmem>>, vector<16xf32>,
          %mul3A_280 = arith.constant 16 : i32
          %mul3A_281 = arith.muli %scan3A_274, %mul3A_280 : i32
          %swap3A_282 = arith.index_cast %squeeze3A : i32 to index
          %swap3A_283 = arith.index_cast %mul3A_281 : i32 to index
          %swap3A_284 = tpu.vector_load %arg18[%swap3A_282, %swap3A_283] {strides = array<i32>} : memref<128x128xf32, #tpu.memory_space<vmem>>, vector<16xf32>,
          tpu.vector_store %arg18[%swap3A_282, %swap3A_283], %get3A_279 {strides = array<i32>} : memref<128x128xf32, #tpu.memory_space<vmem>>, vector<16xf32>,
        }
        %scan3A_273 = arith.constant 8 : i32
      }
      %dma_start3A_189 = arith.constant 0 : i32
      %dma_start3A_190 = tpu.memref_slice %arg5[%add3A_165, %mul3A_2, %dma_start3A_189] : memref<50x4096x128xf32, #tpu.memory_space<hbm>> -> memref<1x128x128xf32, #tpu.memory_space<hbm>>
      %dma_start3A_191 = tpu.memref_squeeze %dma_start3A_190 : memref<1x128x128xf32, #tpu.memory_space<hbm>> -> memref<128x128xf32, #tpu.memory_space<hbm>>
      %dma_start3A_192 = arith.constant 0 : i32
      %dma_start3A_193 = tpu.memref_slice %arg5[%add3A_165, %mul3A_2, %dma_start3A_192] : memref<50x4096x128xf32, #tpu.memory_space<hbm>> -> memref<1x128x128xf32, #tpu.memory_space<hbm>>
      %dma_start3A_194 = tpu.memref_squeeze %dma_start3A_193 : memref<1x128x128xf32, #tpu.memory_space<hbm>> -> memref<128x128xf32, #tpu.memory_space<hbm>>
      tpu.enqueue_dma source(%arg18 : memref<128x128xf32, #tpu.memory_space<vmem>>) target(%dma_start3A_194 : memref<128x128xf32, #tpu.memory_space<hbm>>) target_semaphore(%arg38 : memref<!tpu.dma_semaphore, #tpu.memory_space<semaphore_mem>>)
      %mul3A_195 = arith.constant 5 : i32
      %mul3A_196 = arith.muli %scan3A_100, %mul3A_195 : i32
      %add3A_197 = arith.constant 3 : i32
      %add3A_198 = arith.addi %mul3A_196, %add3A_197 : i32
      %add3A_199 = arith.constant 4 : i32
      %add3A_200 = arith.addi %add3A_198, %add3A_199 : i32
      %lt3A_201 = arith.constant 50 : i32
      %lt3A_202 = arith.cmpi slt, %add3A_200, %lt3A_201 : i32
      %convert_element_type3A_203 = arith.extui %lt3A_202 : i1 to i32
      %cond3A_204 = arith.constant 0 : i32
      %cond3A_205 = arith.cmpi ne, %convert_element_type3A_203, %cond3A_204 : i32
      scf.if %cond3A_205 {
        %ge3A = arith.constant 5 : i32
        %ge3A_261 = arith.cmpi sge, %add3A_200, %ge3A : i32
        %convert_element_type3A_262 = arith.extui %ge3A_261 : i1 to i32
        %cond3A_263 = arith.constant 0 : i32
        %cond3A_264 = arith.cmpi ne, %convert_element_type3A_262, %cond3A_263 : i32
        scf.if %cond3A_264 {
          %dma_wait3A_278 = arith.constant 0 : i32
          %dma_wait3A_279 = arith.constant 0 : i32
          %dma_wait3A_280 = tpu.memref_slice %arg5[%dma_wait3A_278, %mul3A_2, %dma_wait3A_279] : memref<50x4096x128xf32, #tpu.memory_space<hbm>> -> memref<1x128x128xf32, #tpu.memory_space<hbm>>
          %dma_wait3A_281 = tpu.memref_squeeze %dma_wait3A_280 : memref<1x128x128xf32, #tpu.memory_space<hbm>> -> memref<128x128xf32, #tpu.memory_space<hbm>>
          %dma_wait3A_282 = arith.constant 0 : i32
          %dma_wait3A_283 = tpu.memref_slice %arg5[%dma_wait3A_278, %mul3A_2, %dma_wait3A_282] : memref<50x4096x128xf32, #tpu.memory_space<hbm>> -> memref<1x128x128xf32, #tpu.memory_space<hbm>>
          %dma_wait3A_284 = tpu.memref_squeeze %dma_wait3A_283 : memref<1x128x128xf32, #tpu.memory_space<hbm>> -> memref<128x128xf32, #tpu.memory_space<hbm>>
          tpu.wait_dma2 semaphore(%arg38 : memref<!tpu.dma_semaphore, #tpu.memory_space<semaphore_mem>>) src(%arg18 : memref<128x128xf32, #tpu.memory_space<vmem>>) dst(%dma_wait3A_284 : memref<128x128xf32, #tpu.memory_space<hbm>>)
        } else {
        }
        %scan3A_265 = arith.constant 0 : i32
        %scan3A_266 = arith.constant 0 : i32
        %scan3A_267 = arith.constant 8 : i32
        %scan3A_268 = arith.addi %scan3A_266, %scan3A_267 : i32
        %scan3A_269 = arith.constant 1 : i32
        %scan3A_270 = scf.for %scan3A_278 = %scan3A_266 to %scan3A_268 step %scan3A_269 iter_args(%scan3A_279 = %scan3A_265) -> (i32)  : i32 {
          %mul3A_280 = arith.constant 16 : i32
          %mul3A_281 = arith.muli %scan3A_278, %mul3A_280 : i32
          %iota3A = tpu.iota {dimensions = array<i32: 0>} : vector<16xi32>
          %add3A_282 = vector.broadcast %mul3A_281 : i32 to vector<16xi32>
          %add3A_283 = arith.addi %add3A_282, %iota3A : vector<16xi32>
          %mul3A_284 = arith.constant 16 : i32
          %mul3A_285 = arith.muli %scan3A_278, %mul3A_284 : i32
          %get3A_286 = arith.index_cast %add3A_200 : i32 to index
          %get3A_287 = arith.index_cast %mul3A_285 : i32 to index
          %get3A_288 = tpu.vector_load %arg6[%get3A_286, %get3A_287] {strides = array<i32>} : memref<50x128xi32, #tpu.memory_space<vmem>>, vector<16xi32>,
          %lt3A_289 = arith.constant 4 : i32
          %lt3A_290 = vector.broadcast %lt3A_289 : i32 to vector<16xi32>
          %lt3A_291 = arith.cmpi slt, %get3A_288, %lt3A_290 : vector<16xi32>
          %sub3A = arith.constant 4 : i32
          %sub3A_292 = vector.broadcast %sub3A : i32 to vector<16xi32>
          %sub3A_293 = arith.subi %get3A_288, %sub3A_292 : vector<16xi32>
          %jit3A = arith.constant 0 : i32
          %jit3A_294 = arith.constant 99999 : i32
          %max3A = vector.broadcast %jit3A : i32 to vector<16xi32>
          %max3A_295 = arith.maxsi %max3A, %sub3A_293 : vector<16xi32>
          %min3A = vector.broadcast %jit3A_294 : i32 to vector<16xi32>
          %min3A_296 = arith.minsi %min3A, %max3A_295 : vector<16xi32>
          %mul3A_297 = arith.constant 16 : i32
          %mul3A_298 = arith.muli %scan3A_278, %mul3A_297 : i32
          %swap3A_299 = arith.index_cast %mul3A_298 : i32 to index
          %swap3A_300 = tpu.vector_load %arg13[%swap3A_299] {strides = array<i32>} : memref<128xi32, #tpu.memory_space<vmem>>, vector<16xi32>,
          tpu.vector_store %arg13[%swap3A_299], %min3A_296 {strides = array<i32>} : memref<128xi32, #tpu.memory_space<vmem>>, vector<16xi32>,
          %convert_element_type3A_301 = arith.extui %lt3A_291 : vector<16xi1> to vector<16xi32>
          %broadcast_in_dim3A = arith.constant true
          %broadcast_in_dim3A_302 = vector.broadcast %broadcast_in_dim3A : i1 to vector<16xi1>
          %masked_cumsum3A = tpu.scan <sum>, %convert_element_type3A_301 masked %broadcast_in_dim3A_302 : vector<16xi32>, vector<16xi1> -> vector<16xi32>
          %add3A_303 = vector.broadcast %scan3A_279 : i32 to vector<16xi32>
          %add3A_304 = arith.addi %add3A_303, %masked_cumsum3A : vector<16xi32>
          %sub3A_305 = arith.constant 1 : i32
          %sub3A_306 = vector.broadcast %sub3A_305 : i32 to vector<16xi32>
          %sub3A_307 = arith.subi %add3A_304, %sub3A_306 : vector<16xi32>
          tpu.vector_store_idx %arg23[%sub3A_307], %add3A_283 masked %lt3A_291 : memref<144xi32, #tpu.memory_space<vmem>>[vector<16xi32>], vector<16xi32>, vector<16xi1>
          tpu.vector_store_idx %arg28[%sub3A_307], %get3A_288 masked %lt3A_291 : memref<144xi32, #tpu.memory_space<vmem>>[vector<16xi32>], vector<16xi32>, vector<16xi1>
          %slice3A = vector.extract_strided_slice %masked_cumsum3A {offsets = [15], sizes = [1], strides = [1]} : vector<16xi32> to vector<1xi32>
          %squeeze3A = vector.extract %slice3A[0] : i32 from vector<1xi32>
          %add3A_308 = arith.addi %scan3A_279, %squeeze3A : i32
          scf.yield %add3A_308 : i32
        }
        %scan3A_271 = arith.constant 8 : i32
        %swap3A_272 = arith.constant 2 : i32
        %swap3A_273 = arith.index_cast %swap3A_272 : i32 to index
        %swap3A_274 = memref.load %arg8[%swap3A_273] : memref<5xi32, #tpu.memory_space<smem>>
        memref.store %scan3A_270, %arg8[%swap3A_273] : memref<5xi32, #tpu.memory_space<smem>>
        %dma_start3A_275 = arith.constant 0 : i32
        %dma_start3A_276 = arith.constant 0 : i32
        %dma_start3A_277 = tpu.memref_slice %arg3[%dma_start3A_275, %dma_start3A_276] : memref<100000x128xf32, #tpu.memory_space<hbm>> -> memref<100000x128xf32, #tpu.memory_space<hbm>>
        tpu.enqueue_indirect_dma source(%dma_start3A_277 : memref<100000x128xf32, #tpu.memory_space<hbm>>) target(%arg18 : memref<128x128xf32, #tpu.memory_space<vmem>>) offsets(%arg13 : memref<128xi32, #tpu.memory_space<vmem>>) semaphore(%arg33 : memref<!tpu.dma_semaphore, #tpu.memory_space<semaphore_mem>>)
      } else {
      }
      %dma_wait3A_206 = arith.constant 0 : i32
      %dma_wait3A_207 = arith.constant 0 : i32
      %dma_wait3A_208 = tpu.memref_slice %arg3[%dma_wait3A_206, %dma_wait3A_207] : memref<100000x128xf32, #tpu.memory_space<hbm>> -> memref<100000x128xf32, #tpu.memory_space<hbm>>
      tpu.wait_indirect_dma semaphore(%arg34 : memref<!tpu.dma_semaphore, #tpu.memory_space<semaphore_mem>>) src(%dma_wait3A_208 : memref<100000x128xf32, #tpu.memory_space<hbm>>) dst(%arg19 : memref<128x128xf32, #tpu.memory_space<vmem>>)
      %get3A_209 = arith.constant 3 : i32
      %get3A_210 = arith.index_cast %get3A_209 : i32 to index
      %get3A_211 = memref.load %arg8[%get3A_210] : memref<5xi32, #tpu.memory_space<smem>>
      %while3A_212 = arith.constant 0 : i32
      %while3A_213 = arith.constant 0 : i32
      %while3A_214 = arith.subi %get3A_211, %while3A_213 : i32
      %while3A_215 = arith.addi %while3A_213, %while3A_214 : i32
      %while3A_216 = arith.constant 1 : i32
      %while3A_217 = arith.divsi %while3A_214, %while3A_216 : i32
      %while3A_218 = arith.muli %while3A_217, %while3A_216 : i32
      %while3A_219 = arith.addi %while3A_213, %while3A_218 : i32
      %while3A_220 = arith.constant 1 : i32
      scf.for %while3A_261 = %while3A_213 to %while3A_219 step %while3A_220  : i32 {
        %get3A_262 = arith.index_cast %while3A_261 : i32 to index
        %get3A_263 = tpu.vector_load %arg24[%get3A_262] {strides = array<i32>} : memref<144xi32, #tpu.memory_space<vmem>>, vector<16xi32>,
        %slice3A = vector.extract_strided_slice %get3A_263 {offsets = [0], sizes = [1], strides = [1]} : vector<16xi32> to vector<1xi32>
        %squeeze3A = vector.extract %slice3A[0] : i32 from vector<1xi32>
        %get3A_264 = arith.index_cast %while3A_261 : i32 to index
        %get3A_265 = tpu.vector_load %arg29[%get3A_264] {strides = array<i32>} : memref<144xi32, #tpu.memory_space<vmem>>, vector<16xi32>,
        %slice3A_266 = vector.extract_strided_slice %get3A_265 {offsets = [0], sizes = [1], strides = [1]} : vector<16xi32> to vector<1xi32>
        %squeeze3A_267 = vector.extract %slice3A_266[0] : i32 from vector<1xi32>
        %max3A = arith.constant 0 : i32
        %max3A_268 = arith.maxsi %squeeze3A_267, %max3A : i32
        %scan3A_269 = arith.constant 0 : i32
        %scan3A_270 = arith.constant 8 : i32
        %scan3A_271 = arith.addi %scan3A_269, %scan3A_270 : i32
        %scan3A_272 = arith.constant 1 : i32
        scf.for %scan3A_274 = %scan3A_269 to %scan3A_271 step %scan3A_272  : i32 {
          %mul3A_275 = arith.constant 16 : i32
          %mul3A_276 = arith.muli %scan3A_274, %mul3A_275 : i32
          %get3A_277 = arith.index_cast %max3A_268 : i32 to index
          %get3A_278 = arith.index_cast %mul3A_276 : i32 to index
          %get3A_279 = tpu.vector_load %arg7[%get3A_277, %get3A_278] {strides = array<i32>} : memref<4x128xf32, #tpu.memory_space<vmem>>, vector<16xf32>,
          %mul3A_280 = arith.constant 16 : i32
          %mul3A_281 = arith.muli %scan3A_274, %mul3A_280 : i32
          %swap3A_282 = arith.index_cast %squeeze3A : i32 to index
          %swap3A_283 = arith.index_cast %mul3A_281 : i32 to index
          %swap3A_284 = tpu.vector_load %arg19[%swap3A_282, %swap3A_283] {strides = array<i32>} : memref<128x128xf32, #tpu.memory_space<vmem>>, vector<16xf32>,
          tpu.vector_store %arg19[%swap3A_282, %swap3A_283], %get3A_279 {strides = array<i32>} : memref<128x128xf32, #tpu.memory_space<vmem>>, vector<16xf32>,
        }
        %scan3A_273 = arith.constant 8 : i32
      }
      %while3A_221 = arith.constant 1 : i32
      scf.for %while3A_261 = %while3A_219 to %while3A_215 step %while3A_221  : i32 {
        %get3A_262 = arith.index_cast %while3A_261 : i32 to index
        %get3A_263 = tpu.vector_load %arg24[%get3A_262] {strides = array<i32>} : memref<144xi32, #tpu.memory_space<vmem>>, vector<16xi32>,
        %slice3A = vector.extract_strided_slice %get3A_263 {offsets = [0], sizes = [1], strides = [1]} : vector<16xi32> to vector<1xi32>
        %squeeze3A = vector.extract %slice3A[0] : i32 from vector<1xi32>
        %get3A_264 = arith.index_cast %while3A_261 : i32 to index
        %get3A_265 = tpu.vector_load %arg29[%get3A_264] {strides = array<i32>} : memref<144xi32, #tpu.memory_space<vmem>>, vector<16xi32>,
        %slice3A_266 = vector.extract_strided_slice %get3A_265 {offsets = [0], sizes = [1], strides = [1]} : vector<16xi32> to vector<1xi32>
        %squeeze3A_267 = vector.extract %slice3A_266[0] : i32 from vector<1xi32>
        %max3A = arith.constant 0 : i32
        %max3A_268 = arith.maxsi %squeeze3A_267, %max3A : i32
        %scan3A_269 = arith.constant 0 : i32
        %scan3A_270 = arith.constant 8 : i32
        %scan3A_271 = arith.addi %scan3A_269, %scan3A_270 : i32
        %scan3A_272 = arith.constant 1 : i32
        scf.for %scan3A_274 = %scan3A_269 to %scan3A_271 step %scan3A_272  : i32 {
          %mul3A_275 = arith.constant 16 : i32
          %mul3A_276 = arith.muli %scan3A_274, %mul3A_275 : i32
          %get3A_277 = arith.index_cast %max3A_268 : i32 to index
          %get3A_278 = arith.index_cast %mul3A_276 : i32 to index
          %get3A_279 = tpu.vector_load %arg7[%get3A_277, %get3A_278] {strides = array<i32>} : memref<4x128xf32, #tpu.memory_space<vmem>>, vector<16xf32>,
          %mul3A_280 = arith.constant 16 : i32
          %mul3A_281 = arith.muli %scan3A_274, %mul3A_280 : i32
          %swap3A_282 = arith.index_cast %squeeze3A : i32 to index
          %swap3A_283 = arith.index_cast %mul3A_281 : i32 to index
          %swap3A_284 = tpu.vector_load %arg19[%swap3A_282, %swap3A_283] {strides = array<i32>} : memref<128x128xf32, #tpu.memory_space<vmem>>, vector<16xf32>,
          tpu.vector_store %arg19[%swap3A_282, %swap3A_283], %get3A_279 {strides = array<i32>} : memref<128x128xf32, #tpu.memory_space<vmem>>, vector<16xf32>,
        }
        %scan3A_273 = arith.constant 8 : i32
      }
      %dma_start3A_222 = arith.constant 0 : i32
      %dma_start3A_223 = tpu.memref_slice %arg5[%add3A_198, %mul3A_2, %dma_start3A_222] : memref<50x4096x128xf32, #tpu.memory_space<hbm>> -> memref<1x128x128xf32, #tpu.memory_space<hbm>>
      %dma_start3A_224 = tpu.memref_squeeze %dma_start3A_223 : memref<1x128x128xf32, #tpu.memory_space<hbm>> -> memref<128x128xf32, #tpu.memory_space<hbm>>
      %dma_start3A_225 = arith.constant 0 : i32
      %dma_start3A_226 = tpu.memref_slice %arg5[%add3A_198, %mul3A_2, %dma_start3A_225] : memref<50x4096x128xf32, #tpu.memory_space<hbm>> -> memref<1x128x128xf32, #tpu.memory_space<hbm>>
      %dma_start3A_227 = tpu.memref_squeeze %dma_start3A_226 : memref<1x128x128xf32, #tpu.memory_space<hbm>> -> memref<128x128xf32, #tpu.memory_space<hbm>>
      tpu.enqueue_dma source(%arg19 : memref<128x128xf32, #tpu.memory_space<vmem>>) target(%dma_start3A_227 : memref<128x128xf32, #tpu.memory_space<hbm>>) target_semaphore(%arg39 : memref<!tpu.dma_semaphore, #tpu.memory_space<semaphore_mem>>)
      %mul3A_228 = arith.constant 5 : i32
      %mul3A_229 = arith.muli %scan3A_100, %mul3A_228 : i32
      %add3A_230 = arith.constant 4 : i32
      %add3A_231 = arith.addi %mul3A_229, %add3A_230 : i32
      %add3A_232 = arith.constant 4 : i32
      %add3A_233 = arith.addi %add3A_231, %add3A_232 : i32
      %lt3A_234 = arith.constant 50 : i32
      %lt3A_235 = arith.cmpi slt, %add3A_233, %lt3A_234 : i32
      %convert_element_type3A_236 = arith.extui %lt3A_235 : i1 to i32
      %cond3A_237 = arith.constant 0 : i32
      %cond3A_238 = arith.cmpi ne, %convert_element_type3A_236, %cond3A_237 : i32
      scf.if %cond3A_238 {
        %ge3A = arith.constant 5 : i32
        %ge3A_261 = arith.cmpi sge, %add3A_233, %ge3A : i32
        %convert_element_type3A_262 = arith.extui %ge3A_261 : i1 to i32
        %cond3A_263 = arith.constant 0 : i32
        %cond3A_264 = arith.cmpi ne, %convert_element_type3A_262, %cond3A_263 : i32
        scf.if %cond3A_264 {
          %dma_wait3A_278 = arith.constant 0 : i32
          %dma_wait3A_279 = arith.constant 0 : i32
          %dma_wait3A_280 = tpu.memref_slice %arg5[%dma_wait3A_278, %mul3A_2, %dma_wait3A_279] : memref<50x4096x128xf32, #tpu.memory_space<hbm>> -> memref<1x128x128xf32, #tpu.memory_space<hbm>>
          %dma_wait3A_281 = tpu.memref_squeeze %dma_wait3A_280 : memref<1x128x128xf32, #tpu.memory_space<hbm>> -> memref<128x128xf32, #tpu.memory_space<hbm>>
          %dma_wait3A_282 = arith.constant 0 : i32
          %dma_wait3A_283 = tpu.memref_slice %arg5[%dma_wait3A_278, %mul3A_2, %dma_wait3A_282] : memref<50x4096x128xf32, #tpu.memory_space<hbm>> -> memref<1x128x128xf32, #tpu.memory_space<hbm>>
          %dma_wait3A_284 = tpu.memref_squeeze %dma_wait3A_283 : memref<1x128x128xf32, #tpu.memory_space<hbm>> -> memref<128x128xf32, #tpu.memory_space<hbm>>
          tpu.wait_dma2 semaphore(%arg39 : memref<!tpu.dma_semaphore, #tpu.memory_space<semaphore_mem>>) src(%arg19 : memref<128x128xf32, #tpu.memory_space<vmem>>) dst(%dma_wait3A_284 : memref<128x128xf32, #tpu.memory_space<hbm>>)
        } else {
        }
        %scan3A_265 = arith.constant 0 : i32
        %scan3A_266 = arith.constant 0 : i32
        %scan3A_267 = arith.constant 8 : i32
        %scan3A_268 = arith.addi %scan3A_266, %scan3A_267 : i32
        %scan3A_269 = arith.constant 1 : i32
        %scan3A_270 = scf.for %scan3A_278 = %scan3A_266 to %scan3A_268 step %scan3A_269 iter_args(%scan3A_279 = %scan3A_265) -> (i32)  : i32 {
          %mul3A_280 = arith.constant 16 : i32
          %mul3A_281 = arith.muli %scan3A_278, %mul3A_280 : i32
          %iota3A = tpu.iota {dimensions = array<i32: 0>} : vector<16xi32>
          %add3A_282 = vector.broadcast %mul3A_281 : i32 to vector<16xi32>
          %add3A_283 = arith.addi %add3A_282, %iota3A : vector<16xi32>
          %mul3A_284 = arith.constant 16 : i32
          %mul3A_285 = arith.muli %scan3A_278, %mul3A_284 : i32
          %get3A_286 = arith.index_cast %add3A_233 : i32 to index
          %get3A_287 = arith.index_cast %mul3A_285 : i32 to index
          %get3A_288 = tpu.vector_load %arg6[%get3A_286, %get3A_287] {strides = array<i32>} : memref<50x128xi32, #tpu.memory_space<vmem>>, vector<16xi32>,
          %lt3A_289 = arith.constant 4 : i32
          %lt3A_290 = vector.broadcast %lt3A_289 : i32 to vector<16xi32>
          %lt3A_291 = arith.cmpi slt, %get3A_288, %lt3A_290 : vector<16xi32>
          %sub3A = arith.constant 4 : i32
          %sub3A_292 = vector.broadcast %sub3A : i32 to vector<16xi32>
          %sub3A_293 = arith.subi %get3A_288, %sub3A_292 : vector<16xi32>
          %jit3A = arith.constant 0 : i32
          %jit3A_294 = arith.constant 99999 : i32
          %max3A = vector.broadcast %jit3A : i32 to vector<16xi32>
          %max3A_295 = arith.maxsi %max3A, %sub3A_293 : vector<16xi32>
          %min3A = vector.broadcast %jit3A_294 : i32 to vector<16xi32>
          %min3A_296 = arith.minsi %min3A, %max3A_295 : vector<16xi32>
          %mul3A_297 = arith.constant 16 : i32
          %mul3A_298 = arith.muli %scan3A_278, %mul3A_297 : i32
          %swap3A_299 = arith.index_cast %mul3A_298 : i32 to index
          %swap3A_300 = tpu.vector_load %arg14[%swap3A_299] {strides = array<i32>} : memref<128xi32, #tpu.memory_space<vmem>>, vector<16xi32>,
          tpu.vector_store %arg14[%swap3A_299], %min3A_296 {strides = array<i32>} : memref<128xi32, #tpu.memory_space<vmem>>, vector<16xi32>,
          %convert_element_type3A_301 = arith.extui %lt3A_291 : vector<16xi1> to vector<16xi32>
          %broadcast_in_dim3A = arith.constant true
          %broadcast_in_dim3A_302 = vector.broadcast %broadcast_in_dim3A : i1 to vector<16xi1>
          %masked_cumsum3A = tpu.scan <sum>, %convert_element_type3A_301 masked %broadcast_in_dim3A_302 : vector<16xi32>, vector<16xi1> -> vector<16xi32>
          %add3A_303 = vector.broadcast %scan3A_279 : i32 to vector<16xi32>
          %add3A_304 = arith.addi %add3A_303, %masked_cumsum3A : vector<16xi32>
          %sub3A_305 = arith.constant 1 : i32
          %sub3A_306 = vector.broadcast %sub3A_305 : i32 to vector<16xi32>
          %sub3A_307 = arith.subi %add3A_304, %sub3A_306 : vector<16xi32>
          tpu.vector_store_idx %arg24[%sub3A_307], %add3A_283 masked %lt3A_291 : memref<144xi32, #tpu.memory_space<vmem>>[vector<16xi32>], vector<16xi32>, vector<16xi1>
          tpu.vector_store_idx %arg29[%sub3A_307], %get3A_288 masked %lt3A_291 : memref<144xi32, #tpu.memory_space<vmem>>[vector<16xi32>], vector<16xi32>, vector<16xi1>
          %slice3A = vector.extract_strided_slice %masked_cumsum3A {offsets = [15], sizes = [1], strides = [1]} : vector<16xi32> to vector<1xi32>
          %squeeze3A = vector.extract %slice3A[0] : i32 from vector<1xi32>
          %add3A_308 = arith.addi %scan3A_279, %squeeze3A : i32
          scf.yield %add3A_308 : i32
        }
        %scan3A_271 = arith.constant 8 : i32
        %swap3A_272 = arith.constant 3 : i32
        %swap3A_273 = arith.index_cast %swap3A_272 : i32 to index
        %swap3A_274 = memref.load %arg8[%swap3A_273] : memref<5xi32, #tpu.memory_space<smem>>
        memref.store %scan3A_270, %arg8[%swap3A_273] : memref<5xi32, #tpu.memory_space<smem>>
        %dma_start3A_275 = arith.constant 0 : i32
        %dma_start3A_276 = arith.constant 0 : i32
        %dma_start3A_277 = tpu.memref_slice %arg3[%dma_start3A_275, %dma_start3A_276] : memref<100000x128xf32, #tpu.memory_space<hbm>> -> memref<100000x128xf32, #tpu.memory_space<hbm>>
        tpu.enqueue_indirect_dma source(%dma_start3A_277 : memref<100000x128xf32, #tpu.memory_space<hbm>>) target(%arg19 : memref<128x128xf32, #tpu.memory_space<vmem>>) offsets(%arg14 : memref<128xi32, #tpu.memory_space<vmem>>) semaphore(%arg34 : memref<!tpu.dma_semaphore, #tpu.memory_space<semaphore_mem>>)
      } else {
      }
      %dma_wait3A_239 = arith.constant 0 : i32
      %dma_wait3A_240 = arith.constant 0 : i32
      %dma_wait3A_241 = tpu.memref_slice %arg3[%dma_wait3A_239, %dma_wait3A_240] : memref<100000x128xf32, #tpu.memory_space<hbm>> -> memref<100000x128xf32, #tpu.memory_space<hbm>>
      tpu.wait_indirect_dma semaphore(%arg35 : memref<!tpu.dma_semaphore, #tpu.memory_space<semaphore_mem>>) src(%dma_wait3A_241 : memref<100000x128xf32, #tpu.memory_space<hbm>>) dst(%arg20 : memref<128x128xf32, #tpu.memory_space<vmem>>)
      %get3A_242 = arith.constant 4 : i32
      %get3A_243 = arith.index_cast %get3A_242 : i32 to index
      %get3A_244 = memref.load %arg8[%get3A_243] : memref<5xi32, #tpu.memory_space<smem>>
      %while3A_245 = arith.constant 0 : i32
      %while3A_246 = arith.constant 0 : i32
      %while3A_247 = arith.subi %get3A_244, %while3A_246 : i32
      %while3A_248 = arith.addi %while3A_246, %while3A_247 : i32
      %while3A_249 = arith.constant 1 : i32
      %while3A_250 = arith.divsi %while3A_247, %while3A_249 : i32
      %while3A_251 = arith.muli %while3A_250, %while3A_249 : i32
      %while3A_252 = arith.addi %while3A_246, %while3A_251 : i32
      %while3A_253 = arith.constant 1 : i32
      scf.for %while3A_261 = %while3A_246 to %while3A_252 step %while3A_253  : i32 {
        %get3A_262 = arith.index_cast %while3A_261 : i32 to index
        %get3A_263 = tpu.vector_load %arg25[%get3A_262] {strides = array<i32>} : memref<144xi32, #tpu.memory_space<vmem>>, vector<16xi32>,
        %slice3A = vector.extract_strided_slice %get3A_263 {offsets = [0], sizes = [1], strides = [1]} : vector<16xi32> to vector<1xi32>
        %squeeze3A = vector.extract %slice3A[0] : i32 from vector<1xi32>
        %get3A_264 = arith.index_cast %while3A_261 : i32 to index
        %get3A_265 = tpu.vector_load %arg30[%get3A_264] {strides = array<i32>} : memref<144xi32, #tpu.memory_space<vmem>>, vector<16xi32>,
        %slice3A_266 = vector.extract_strided_slice %get3A_265 {offsets = [0], sizes = [1], strides = [1]} : vector<16xi32> to vector<1xi32>
        %squeeze3A_267 = vector.extract %slice3A_266[0] : i32 from vector<1xi32>
        %max3A = arith.constant 0 : i32
        %max3A_268 = arith.maxsi %squeeze3A_267, %max3A : i32
        %scan3A_269 = arith.constant 0 : i32
        %scan3A_270 = arith.constant 8 : i32
        %scan3A_271 = arith.addi %scan3A_269, %scan3A_270 : i32
        %scan3A_272 = arith.constant 1 : i32
        scf.for %scan3A_274 = %scan3A_269 to %scan3A_271 step %scan3A_272  : i32 {
          %mul3A_275 = arith.constant 16 : i32
          %mul3A_276 = arith.muli %scan3A_274, %mul3A_275 : i32
          %get3A_277 = arith.index_cast %max3A_268 : i32 to index
          %get3A_278 = arith.index_cast %mul3A_276 : i32 to index
          %get3A_279 = tpu.vector_load %arg7[%get3A_277, %get3A_278] {strides = array<i32>} : memref<4x128xf32, #tpu.memory_space<vmem>>, vector<16xf32>,
          %mul3A_280 = arith.constant 16 : i32
          %mul3A_281 = arith.muli %scan3A_274, %mul3A_280 : i32
          %swap3A_282 = arith.index_cast %squeeze3A : i32 to index
          %swap3A_283 = arith.index_cast %mul3A_281 : i32 to index
          %swap3A_284 = tpu.vector_load %arg20[%swap3A_282, %swap3A_283] {strides = array<i32>} : memref<128x128xf32, #tpu.memory_space<vmem>>, vector<16xf32>,
          tpu.vector_store %arg20[%swap3A_282, %swap3A_283], %get3A_279 {strides = array<i32>} : memref<128x128xf32, #tpu.memory_space<vmem>>, vector<16xf32>,
        }
        %scan3A_273 = arith.constant 8 : i32
      }
      %while3A_254 = arith.constant 1 : i32
      scf.for %while3A_261 = %while3A_252 to %while3A_248 step %while3A_254  : i32 {
        %get3A_262 = arith.index_cast %while3A_261 : i32 to index
        %get3A_263 = tpu.vector_load %arg25[%get3A_262] {strides = array<i32>} : memref<144xi32, #tpu.memory_space<vmem>>, vector<16xi32>,
        %slice3A = vector.extract_strided_slice %get3A_263 {offsets = [0], sizes = [1], strides = [1]} : vector<16xi32> to vector<1xi32>
        %squeeze3A = vector.extract %slice3A[0] : i32 from vector<1xi32>
        %get3A_264 = arith.index_cast %while3A_261 : i32 to index
        %get3A_265 = tpu.vector_load %arg30[%get3A_264] {strides = array<i32>} : memref<144xi32, #tpu.memory_space<vmem>>, vector<16xi32>,
        %slice3A_266 = vector.extract_strided_slice %get3A_265 {offsets = [0], sizes = [1], strides = [1]} : vector<16xi32> to vector<1xi32>
        %squeeze3A_267 = vector.extract %slice3A_266[0] : i32 from vector<1xi32>
        %max3A = arith.constant 0 : i32
        %max3A_268 = arith.maxsi %squeeze3A_267, %max3A : i32
        %scan3A_269 = arith.constant 0 : i32
        %scan3A_270 = arith.constant 8 : i32
        %scan3A_271 = arith.addi %scan3A_269, %scan3A_270 : i32
        %scan3A_272 = arith.constant 1 : i32
        scf.for %scan3A_274 = %scan3A_269 to %scan3A_271 step %scan3A_272  : i32 {
          %mul3A_275 = arith.constant 16 : i32
          %mul3A_276 = arith.muli %scan3A_274, %mul3A_275 : i32
          %get3A_277 = arith.index_cast %max3A_268 : i32 to index
          %get3A_278 = arith.index_cast %mul3A_276 : i32 to index
          %get3A_279 = tpu.vector_load %arg7[%get3A_277, %get3A_278] {strides = array<i32>} : memref<4x128xf32, #tpu.memory_space<vmem>>, vector<16xf32>,
          %mul3A_280 = arith.constant 16 : i32
          %mul3A_281 = arith.muli %scan3A_274, %mul3A_280 : i32
          %swap3A_282 = arith.index_cast %squeeze3A : i32 to index
          %swap3A_283 = arith.index_cast %mul3A_281 : i32 to index
          %swap3A_284 = tpu.vector_load %arg20[%swap3A_282, %swap3A_283] {strides = array<i32>} : memref<128x128xf32, #tpu.memory_space<vmem>>, vector<16xf32>,
          tpu.vector_store %arg20[%swap3A_282, %swap3A_283], %get3A_279 {strides = array<i32>} : memref<128x128xf32, #tpu.memory_space<vmem>>, vector<16xf32>,
        }
        %scan3A_273 = arith.constant 8 : i32
      }
      %dma_start3A_255 = arith.constant 0 : i32
      %dma_start3A_256 = tpu.memref_slice %arg5[%add3A_231, %mul3A_2, %dma_start3A_255] : memref<50x4096x128xf32, #tpu.memory_space<hbm>> -> memref<1x128x128xf32, #tpu.memory_space<hbm>>
      %dma_start3A_257 = tpu.memref_squeeze %dma_start3A_256 : memref<1x128x128xf32, #tpu.memory_space<hbm>> -> memref<128x128xf32, #tpu.memory_space<hbm>>
      %dma_start3A_258 = arith.constant 0 : i32
      %dma_start3A_259 = tpu.memref_slice %arg5[%add3A_231, %mul3A_2, %dma_start3A_258] : memref<50x4096x128xf32, #tpu.memory_space<hbm>> -> memref<1x128x128xf32, #tpu.memory_space<hbm>>
      %dma_start3A_260 = tpu.memref_squeeze %dma_start3A_259 : memref<1x128x128xf32, #tpu.memory_space<hbm>> -> memref<128x128xf32, #tpu.memory_space<hbm>>
      tpu.enqueue_dma source(%arg20 : memref<128x128xf32, #tpu.memory_space<vmem>>) target(%dma_start3A_260 : memref<128x128xf32, #tpu.memory_space<hbm>>) target_semaphore(%arg40 : memref<!tpu.dma_semaphore, #tpu.memory_space<semaphore_mem>>)
    }
    %scan3A_64 = arith.constant 10 : i32
    %dma_wait3A_65 = arith.constant 0 : i32
    %dma_wait3A_66 = arith.constant 0 : i32
    %dma_wait3A_67 = tpu.memref_slice %arg5[%dma_wait3A_65, %mul3A_2, %dma_wait3A_66] : memref<50x4096x128xf32, #tpu.memory_space<hbm>> -> memref<1x128x128xf32, #tpu.memory_space<hbm>>
    %dma_wait3A_68 = tpu.memref_squeeze %dma_wait3A_67 : memref<1x128x128xf32, #tpu.memory_space<hbm>> -> memref<128x128xf32, #tpu.memory_space<hbm>>
    %dma_wait3A_69 = arith.constant 0 : i32
    %dma_wait3A_70 = tpu.memref_slice %arg5[%dma_wait3A_65, %mul3A_2, %dma_wait3A_69] : memref<50x4096x128xf32, #tpu.memory_space<hbm>> -> memref<1x128x128xf32, #tpu.memory_space<hbm>>
    %dma_wait3A_71 = tpu.memref_squeeze %dma_wait3A_70 : memref<1x128x128xf32, #tpu.memory_space<hbm>> -> memref<128x128xf32, #tpu.memory_space<hbm>>
    tpu.wait_dma2 semaphore(%arg36 : memref<!tpu.dma_semaphore, #tpu.memory_space<semaphore_mem>>) src(%arg16 : memref<128x128xf32, #tpu.memory_space<vmem>>) dst(%dma_wait3A_71 : memref<128x128xf32, #tpu.memory_space<hbm>>)
    %dma_wait3A_72 = arith.constant 0 : i32
    %dma_wait3A_73 = arith.constant 0 : i32
    %dma_wait3A_74 = tpu.memref_slice %arg5[%dma_wait3A_72, %mul3A_2, %dma_wait3A_73] : memref<50x4096x128xf32, #tpu.memory_space<hbm>> -> memref<1x128x128xf32, #tpu.memory_space<hbm>>
    %dma_wait3A_75 = tpu.memref_squeeze %dma_wait3A_74 : memref<1x128x128xf32, #tpu.memory_space<hbm>> -> memref<128x128xf32, #tpu.memory_space<hbm>>
    %dma_wait3A_76 = arith.constant 0 : i32
    %dma_wait3A_77 = tpu.memref_slice %arg5[%dma_wait3A_72, %mul3A_2, %dma_wait3A_76] : memref<50x4096x128xf32, #tpu.memory_space<hbm>> -> memref<1x128x128xf32, #tpu.memory_space<hbm>>
    %dma_wait3A_78 = tpu.memref_squeeze %dma_wait3A_77 : memref<1x128x128xf32, #tpu.memory_space<hbm>> -> memref<128x128xf32, #tpu.memory_space<hbm>>
    tpu.wait_dma2 semaphore(%arg37 : memref<!tpu.dma_semaphore, #tpu.memory_space<semaphore_mem>>) src(%arg17 : memref<128x128xf32, #tpu.memory_space<vmem>>) dst(%dma_wait3A_78 : memref<128x128xf32, #tpu.memory_space<hbm>>)
    %dma_wait3A_79 = arith.constant 0 : i32
    %dma_wait3A_80 = arith.constant 0 : i32
    %dma_wait3A_81 = tpu.memref_slice %arg5[%dma_wait3A_79, %mul3A_2, %dma_wait3A_80] : memref<50x4096x128xf32, #tpu.memory_space<hbm>> -> memref<1x128x128xf32, #tpu.memory_space<hbm>>
    %dma_wait3A_82 = tpu.memref_squeeze %dma_wait3A_81 : memref<1x128x128xf32, #tpu.memory_space<hbm>> -> memref<128x128xf32, #tpu.memory_space<hbm>>
    %dma_wait3A_83 = arith.constant 0 : i32
    %dma_wait3A_84 = tpu.memref_slice %arg5[%dma_wait3A_79, %mul3A_2, %dma_wait3A_83] : memref<50x4096x128xf32, #tpu.memory_space<hbm>> -> memref<1x128x128xf32, #tpu.memory_space<hbm>>
    %dma_wait3A_85 = tpu.memref_squeeze %dma_wait3A_84 : memref<1x128x128xf32, #tpu.memory_space<hbm>> -> memref<128x128xf32, #tpu.memory_space<hbm>>
    tpu.wait_dma2 semaphore(%arg38 : memref<!tpu.dma_semaphore, #tpu.memory_space<semaphore_mem>>) src(%arg18 : memref<128x128xf32, #tpu.memory_space<vmem>>) dst(%dma_wait3A_85 : memref<128x128xf32, #tpu.memory_space<hbm>>)
    %dma_wait3A_86 = arith.constant 0 : i32
    %dma_wait3A_87 = arith.constant 0 : i32
    %dma_wait3A_88 = tpu.memref_slice %arg5[%dma_wait3A_86, %mul3A_2, %dma_wait3A_87] : memref<50x4096x128xf32, #tpu.memory_space<hbm>> -> memref<1x128x128xf32, #tpu.memory_space<hbm>>
    %dma_wait3A_89 = tpu.memref_squeeze %dma_wait3A_88 : memref<1x128x128xf32, #tpu.memory_space<hbm>> -> memref<128x128xf32, #tpu.memory_space<hbm>>
    %dma_wait3A_90 = arith.constant 0 : i32
    %dma_wait3A_91 = tpu.memref_slice %arg5[%dma_wait3A_86, %mul3A_2, %dma_wait3A_90] : memref<50x4096x128xf32, #tpu.memory_space<hbm>> -> memref<1x128x128xf32, #tpu.memory_space<hbm>>
    %dma_wait3A_92 = tpu.memref_squeeze %dma_wait3A_91 : memref<1x128x128xf32, #tpu.memory_space<hbm>> -> memref<128x128xf32, #tpu.memory_space<hbm>>
    tpu.wait_dma2 semaphore(%arg39 : memref<!tpu.dma_semaphore, #tpu.memory_space<semaphore_mem>>) src(%arg19 : memref<128x128xf32, #tpu.memory_space<vmem>>) dst(%dma_wait3A_92 : memref<128x128xf32, #tpu.memory_space<hbm>>)
    %dma_wait3A_93 = arith.constant 0 : i32
    %dma_wait3A_94 = arith.constant 0 : i32
    %dma_wait3A_95 = tpu.memref_slice %arg5[%dma_wait3A_93, %mul3A_2, %dma_wait3A_94] : memref<50x4096x128xf32, #tpu.memory_space<hbm>> -> memref<1x128x128xf32, #tpu.memory_space<hbm>>
    %dma_wait3A_96 = tpu.memref_squeeze %dma_wait3A_95 : memref<1x128x128xf32, #tpu.memory_space<hbm>> -> memref<128x128xf32, #tpu.memory_space<hbm>>
    %dma_wait3A_97 = arith.constant 0 : i32
    %dma_wait3A_98 = tpu.memref_slice %arg5[%dma_wait3A_93, %mul3A_2, %dma_wait3A_97] : memref<50x4096x128xf32, #tpu.memory_space<hbm>> -> memref<1x128x128xf32, #tpu.memory_space<hbm>>
    %dma_wait3A_99 = tpu.memref_squeeze %dma_wait3A_98 : memref<1x128x128xf32, #tpu.memory_space<hbm>> -> memref<128x128xf32, #tpu.memory_space<hbm>>
    tpu.wait_dma2 semaphore(%arg40 : memref<!tpu.dma_semaphore, #tpu.memory_space<semaphore_mem>>) src(%arg20 : memref<128x128xf32, #tpu.memory_space<vmem>>) dst(%dma_wait3A_99 : memref<128x128xf32, #tpu.memory_space<hbm>>)
    return
  }
}

</mosaic_0001>

<sc_bundles>
// kernel: kernel.3.cloned.1.call-start
scs
__scs_entry_jumppad:
0x0: {  	(pc) =	sbr.rel $0x88, $3  }
0x1: {  	(tag) =	ssettag $0x0;
	lr =	simm.s32 $0x1  }
0x2: {  	[smem:$0x3F9E] =	sst lr;
	_ =	strace $0xD0000000  }
0x3: {  	_ = 	snop  }
0x4: {  	_ = 	snop  }
0x5: {  	_ = 	snop  }
0x6: {  	_ = 	snop  }
0x7: {  	_ = 	snop  }
__scs_overlays_trampoline_lowered:
0x8: {  	[smem:$0x3FAD] =	sst s0  }
0x9: {  	[smem:$0x3FAE] =	sst s1  }
0xa: {  	[smem:$0x3FAF] =	sst s2  }
0xb: {  	[smem:$0x3FB0] =	sst s3  }
0xc: {  	[smem:$0x3FB1] =	sst s4  }
0xd: {  	[smem:$0x3FB2] =	sst s5  }
0xe: {  	[smem:$0x3FB3] =	sst s6  }
0xf: {  	[smem:$0x3FB4] =	sst s7  }
0x10: {  	[smem:$0x3FB5] =	sst s8  }
0x11: {  	[smem:$0x3FB6] =	sst s9;
	s0 =	simm.s32 @!p0 $0x0  }
0x12: {  	s1 =	sld [smem:$0x3F9C];
	s0 =	simm.s32 @p0 $0x1  }
0x13: {  	[smem:$0x3FB7] =	sst s0;
	s0 =	simm.s32 @!p1 $0x0  }
0x14: {  	s2 =	sld [smem:$0x3F9B];
	s0 =	simm.s32 @p1 $0x1  }
0x15: {  	[smem:$0x3FB8] =	sst s0;
	s0 =	simm.s32 @!p2 $0x0  }
0x16: {  	s3 =	sld [smem:$0x3FDB];
	s0 =	simm.s32 @p2 $0x1  }
0x17: {  	s4 =	simm.s32 $0x1BF5;
	[smem:$0x3FBA] =	sst s0  }
0x18: {  	s0 =	sld [smem:$0x3F9D];
	_ =	swait.ge [sflag:s4], $0x0  }
0x19: {  	s7 =	sld [smem:$0x3F9E]  }
0x1a: {  	s8 =	sadd.s32 $0xFFFFE003, lr  }
0x1b: {  	s9 =	sadd.s32 $0xFFFFFEF7, lr;
	s5 =	simm.s32 $0xFFFFFFFF;
	p2 =	slt.u32 s8, $0xFFFFF086  }
0x1c: {  	p1 =	slt.u32 s9, $0xF7A;
	s5 =	simm.s32 @!p2 $0x0  }
0x1d: {  	s5 =	simm.s32 @p1 $0x1;
	p0 =	seq.s32 s7, s2  }
0x1e: {  	s7 =	smul.u32 @!p0 $0xF7A, s2;
	p2 =	seq.s32 @!p0 s5, $0x0  }
0x1f: {  	s9 =	smul.u32 $0xF7A, s1;
	s8 =	simm.s32 @!p0 $0x1BF5;
	p2 =	por !p2, p0  }
0x20: {  	[sflag:s8] =	ssyncset.s32 @!p0 $0xFFFFF086;
	s6 =	sadd.s32 @!p0 s3, s7;
	s7 =	simm.s32 @!p0 $0x108  }
0x21: {  	s3 =	sadd.s32 s3, s9;
	s6 =	sadd.s32 @!p0 $0x88, s6;
	s7 =	simm.s32 @p2 $0x1082  }
0x22: {  	[simem:s7], [sflag:s8] =	dma.local @!p0 [hbm:s6], $0xF7A  }
0x23: {  	s9 =	sor.u32 $0xD0000000, s2;
	s6 =	simm.s32 $0x108;
	_ =	swait.ge @!p0 [sflag:s8], $0x0  }
0x24: {  	s3 =	sadd.s32 $0x88, s3;
	s6 =	simm.s32 @!p1 $0x1082;
	[sflag:s4] =	ssyncset.s32 $0xFFFFF086  }
0x25: {  	[simem:s6], [sflag:s4] =	dma.local [hbm:s3], $0xF7A  }
0x26: {  	[smem:$0x3F9E] =	sst s1;
	(tag) =	ssettag s2;
	_ =	strace s9  }
0x27: {  	s1 =	sld [smem:$0x3FAE]  }
0x28: {  	s2 =	sld [smem:$0x3FAF]  }
0x29: {  	s4 =	sld [smem:$0x3FB1]  }
0x2a: {  	p0 =	seq.s32 s5, $0x0;
	s5 =	sld [smem:$0x3FB2]  }
0x2b: {  	s6 =	sld [smem:$0x3FB3]  }
0x2c: {  	s7 =	sld [smem:$0x3FB4]  }
0x2d: {  	s3 =	simm.s32 $0x108;
	s8 =	sld [smem:$0x3FB5]  }
0x2e: {  	s3 =	simm.s32 @!p0 $0x1082;
	s9 =	sld [smem:$0x3FB6]  }
0x2f: {  	lr =	sadd.s32 s0, s3;
	s0 =	sld [smem:$0x3FAD]  }
0x30: {  	s3 =	sld [smem:$0x3FB0]  }
0x31: {  	[smem:$0x3FB9] =	sst s10  }
0x32: {  	s10 =	sld [smem:$0x3FB7];
	_ =	sdelay $0x3  }
0x33: {  	p0 =	seq.s32 s10, $0x1;
	s10 =	sld [smem:$0x3FB9];
	_ =	sdelay $0x3  }
0x34: {  	[smem:$0x3FB9] =	sst s10  }
0x35: {  	s10 =	sld [smem:$0x3FB8];
	_ =	sdelay $0x3  }
0x36: {  	p1 =	seq.s32 s10, $0x1;
	s10 =	sld [smem:$0x3FB9];
	_ =	sdelay $0x3  }
0x37: {  	[smem:$0x3FB9] =	sst s10  }
0x38: {  	s10 =	sld [smem:$0x3FBA]  }
0x39: {  	_ = 	snop;
	(pc) =	sbr.ind lr, $3  }
0x3a: {  	_ = 	snop  }
0x3b: {  	_ = 	snop  }
0x3c: {  	p2 =	seq.s32 s10, $0x1;
	s10 =	sld [smem:$0x3FB9]  }
0x3d: {  	_ =	shalt  }
0x3e: {  	_ =	shalt  }
0x3f: {  	_ =	shalt  }
0x40: {  	_ =	shalt  }
0x41: {  	_ =	shalt  }
0x42: {  	_ =	shalt  }
0x43: {  	_ =	shalt  }
0x44: {  	_ =	shalt  }
0x45: {  	_ =	shalt  }
0x46: {  	_ =	shalt  }
0x47: {  	_ =	shalt  }
0x48: {  	_ =	shalt  }
0x49: {  	_ =	shalt  }
0x4a: {  	_ =	shalt  }
0x4b: {  	_ =	shalt  }
0x4c: {  	_ =	shalt  }
0x4d: {  	_ =	shalt  }
0x4e: {  	_ =	shalt  }
0x4f: {  	_ =	shalt  }
0x50: {  	_ =	shalt  }
0x51: {  	_ =	shalt  }
0x52: {  	_ =	shalt  }
0x53: {  	_ =	shalt  }
0x54: {  	_ =	shalt  }
0x55: {  	_ =	shalt  }
0x56: {  	_ =	shalt  }
0x57: {  	_ =	shalt  }
0x58: {  	_ =	shalt  }
0x59: {  	_ =	shalt  }
0x5a: {  	_ =	shalt  }
0x5b: {  	_ =	shalt  }
0x5c: {  	_ =	shalt  }
0x5d: {  	_ =	shalt  }
0x5e: {  	_ =	shalt  }
0x5f: {  	_ =	shalt  }
0x60: {  	_ =	shalt  }
0x61: {  	_ =	shalt  }
0x62: {  	_ =	shalt  }
0x63: {  	_ =	shalt  }
0x64: {  	_ =	shalt  }
0x65: {  	_ =	shalt  }
0x66: {  	_ =	shalt  }
0x67: {  	_ =	shalt  }
0x68: {  	_ =	shalt  }
0x69: {  	_ =	shalt  }
0x6a: {  	_ =	shalt  }
0x6b: {  	_ =	shalt  }
0x6c: {  	_ =	shalt  }
0x6d: {  	_ =	shalt  }
0x6e: {  	_ =	shalt  }
0x6f: {  	_ =	shalt  }
0x70: {  	_ =	shalt  }
0x71: {  	_ =	shalt  }
0x72: {  	_ =	shalt  }
0x73: {  	_ =	shalt  }
0x74: {  	_ =	shalt  }
0x75: {  	_ =	shalt  }
0x76: {  	_ =	shalt  }
0x77: {  	_ =	shalt  }
0x78: {  	_ =	shalt  }
0x79: {  	_ =	shalt  }
0x7a: {  	_ =	shalt  }
0x7b: {  	_ =	shalt  }
0x7c: {  	_ =	shalt  }
0x7d: {  	_ =	shalt  }
0x7e: {  	_ =	shalt  }
0x7f: {  	_ =	shalt  }
0x80: {  	_ =	shalt  }
0x81: {  	_ =	shalt  }
0x82: {  	_ =	shalt  }
0x83: {  	_ =	shalt  }
0x84: {  	_ =	shalt  }
0x85: {  	_ =	shalt  }
0x86: {  	_ =	shalt  }
0x87: {  	_ =	shalt  }
.Lfunc_end0:
.L_simem_size_0:
called_computation_lowered:
.L_overlay_start_0:
0x88: {  	s2 =	sld [smem:$0x3FD9]  }
0x89: {  	s3 =	sld [smem:$0x3FFE];
	_ =	sdelay $0x1  }
0x8a: {  	s1 =	srdreg.scid  }
0x8b: {  	s0 =	sand.u32 $0x1, s1  }
0x8c: {  	s18 =	sshll.u32 s0, $0xA;
	s2 =	sadd.s32 s3, s2  }
0x8d: {  	s2 =	sadd.s32 s2, s18  }
0x8e: {  	[smem:$0x3FC5] =	sst s2  }
0x8f: {  	_ = 	snop  }
0x90: {  	s2 =	sld [smem:$0x3FC9]  }
0x91: {  	s19 =	sld [smem:$0x3FC8]  }
0x92: {  	s4 =	sld [smem:$0x3FC7]  }
0x93: {  	s5 =	sld [smem:$0x3FD0];
	(tm) =	ssettm $0x1  }
0x94: {  	s6 =	sld [smem:$0x3FFB];
	_ =	sdelay $0x3  }
0x95: {  	_ =	strace s6  }
0x96: {  	s6 =	sld [smem:$0x3FFC];
	_ =	sdelay $0x3  }
0x97: {  	_ =	strace s6  }
0x98: {  	s6 =	sld [smem:$0x3FFD];
	_ =	sdelay $0x3  }
0x99: {  	_ =	strace s6  }
0x9a: {  	_ =	strace $0x8FFFFFFF  }
0x9b: {  	s20 =	sld [smem:$0x3FDB];
	_ =	sdelay $0x1  }
0x9c: {  	s7 =	simm.s32 $_scs_section_size  }
0x9d: {  	s8 =	simm.s32 $_size__tile_overlayer_lowered;
	s9 =	simm.s32 $_tile_overlayer_lowered  }
0x9e: {  	s23 =	simm.s32 $0x1BFF;
	s22 =	sshll.u32 s9, $0x1;
	s6 =	sadd.s32 s7, s20  }
0x9f: {  	s10 =	simm.s32 $0x0;
	s21 =	sshll.u32 s8, $0x1;
	s8 =	sadd.s32 s22, s6  }
0xa0: {  	[timem:s10], [sflag:s23] =	dma.local [hbm:s8], s21  }
0xa1: {  	_ =	swait.ge [sflag:s23], s21  }
0xa2: {  	s7 =	ssub.s32 $0x0, s21;
	[sflag:s23] =	ssyncset.done $0x0  }
0xa3: {  	[sflag:s23] =	ssyncadd.s32 s7;
	_ =	sdelay $0x1  }
0xa4: {  	s24 =	simm.s32 $0x1B8B  }
0xa5: {  	_ =	swait.ge [sflag:s24], $0x1  }
0xa6: {  	[sflag:s24] =	ssyncset.done $0x0  }
0xa7: {  	s25 =	simm.s32 $0x1B8E;
	[sflag:s24] =	ssyncadd.s32 $0xFFFFFFFF  }
0xa8: {  	s26 =	simm.s32 $execute0_lowered;
	[smem:$0x3FD2] =	sst s25  }
0xa9: {  	s7 =	sshll.u32 s26, $0x1;
	_ =	strace $0x80000046;
	[dreg:$0x1] =	wrdreg $0xFFFFFFFF  }
0xaa: {  	s28 =	simm.s32 $_size_execute0_lowered;
	s6 =	sadd.s32 s6, s7;
	[dreg:$0x0] =	wrdreg $0x0  }
0xab: {  	s7 =	sshll.u32 s28, $0x1;
	[dreg:$0x2] =	wrdreg s6  }
0xac: {  	[dreg:$0x3] =	wrdreg s7  }
0xad: {  	[dreg:$0x4] =	wrdreg $0xC0  }
0xae: {  	_ =	task [dreg:s10], $0x5FFFF  }
0xaf: {  	[dreg:$0x1] =	wrdreg $0xFFFFFFFF  }
0xb0: {  	[dreg:$0x0] =	wrdreg $0x60  }
0xb1: {  	[dreg:$0x2] =	wrdreg s2  }
0xb2: {  	[dreg:$0x3] =	wrdreg s19  }
0xb3: {  	[dreg:$0x4] =	wrdreg s4  }
0xb4: {  	[dreg:$0x5] =	wrdreg s5  }
0xb5: {  	[dreg:$0x6] =	wrdreg $0x9  }
0xb6: {  	_ =	task.clear_ibuf [dreg:s10], $0x7FFFF;
	_ =	strace $0x90000046  }
0xb7: {  	s29 =	simm.s32 $0x9;
	_ =	strace $0x80000048  }
0xb8: {  	_ =	swait.ge [sflag:s29], $0x1  }
0xb9: {  	[sflag:s29] =	ssyncadd.s32 $0xFFFFFFFF  }
0xba: {  	_ =	strace $0x90000048  }
0xbb: {  	_ =	sfence  }
0xbc: {  	s30 =	sld [smem:$0x0];
	_ =	sdelay $0x2  }
0xbd: {  	s31 =	sshll.u32 s1, $0xD;
	s1 =	sshrl.u32 s1, $0x2  }
0xbe: {  	s3 =	sand.u32 $0x4000, s31;
	s1 =	sadd.s32 s1, s30  }
0xbf: {  	s0 =	sor.u32 s3, s0;
	s1 =	sshll.u32 s1, $0x11  }
0xc0: {  	s0 =	sor.u32 s1, s0  }
0xc1: {  	s0 =	sadd.s32 $0x8F2B, s0  }
0xc2: {  	[sflag:s0] =	ssyncadd.remote.s32 $0x1  }
0xc3: {  	_ =	sfence.sel $0xFFFF  }
0xc4: {  	[dreg:$0x0] =	wrdreg $0xFFFFFFFF;
	(pc) =	sbr.abs _section_cstart, $3  }
0xc5: {  	[dreg:$0x1] =	wrdreg $0xFFFFFFFF  }
0xc6: {  	_ =	task.clear_ibuf [dreg:s10], $0x2FFFF;
	_ =	strace $0x9FFFFFFF  }
0xc7: {  	(tm) =	ssettm $0x7FFFFFFF  }
tec
execute0_lowered:
.L_overlay_start_1:
0x0: {  	(tag) =	ssettag $0x1  }
0x1: {  	s0 =	rddreg [dreg:$0x0]  }
0x2: {  	s1 =	srdreg.scid;
	s2 =	stileid.u32;
	s4 =	simm.s32 $0x0  }
0x3: {  	s18 =	simm.s32 $0x16080;
	s19 =	simm.s32 $0x16580;
	s22 =	simm.s32 $0x16180  }
0x4: {  	s28 =	simm.s32 $0x16280;
	s29 =	simm.s32 $0x16780;
	s1 =	sand.u32 $0x1, s1  }
0x5: {  	s15 =	simm.s32 $0x16480;
	s2 =	sshll.u32 s2, $0x8;
	s3 =	sshll.u32 s1, $0x7  }
0x6: {  	s16 =	simm.s32 $0x16980;
	[smem:$0x7FF] =	sst s4;
	s2 =	sor.u32 s3, s2  }
0x7: {  	s4 =	simm.s32 $0x0;
	s1 =	ssub.s32 $0x2, s1;
	s24 =	sadd.s32 s0, s2  }
0x8: {  	_ =	strace $0x80000047;
	s30 =	sshll.u32 s2, $0x7;
	[dreg:$0x5] =	wrdreg s24  }
0x9: {  	s23 =	sshrl.u32 s1, $0x1;
	s26 =	sadd.s32 $0x6000, s24;
	[dreg:$0x7] =	wrdreg s30  }
.Ltmp0:
0xa: {  	s2 =	sor.u32 $0x80000, s30;
	[dreg:$0x6] =	wrdreg s26;
	(pc) =	sbr.rel .LBB2_1-.Ltmp0, $4  }
0xb: {  	s25 =	ssub.s32 s1, s23;
	s31 =	sor.u32 $0x100000, s30;
	[dreg:$0x8] =	wrdreg s2  }
0xc: {  	s23 =	simm.s32 $0x16680;
	s1 =	sor.u32 $0x180000, s30;
	[dreg:$0x9] =	wrdreg s31  }
0xd: {  	s0 =	smax.u32 s25, $0x1;
	s25 =	simm.s32 $0x12080;
	[dreg:$0xa] =	wrdreg s1  }
0xe: {  	v0 =	vlaneseq.u32;
	v1 =	vimm.s32 $0x0;
	[dreg:$0xb] =	wrdreg s0;
	s0 =	simm.s32 $0x16380;
	s2 =	simm.s32 $0x16880  }
.LBB2_64:
0xf: {  	s1 =	simm.s32 $0x8  }
0x10: {  	_ =	swait.ge [sflag:s1], $0x4000  }
0x11: {  	[sflag:s1] =	ssyncset.done $0x0  }
0x12: {  	s24 =	simm.s32 $0x9;
	[sflag:s1] =	ssyncadd.s32 $0xFFFFC000  }
0x13: {  	_ =	swait.ge [sflag:s24], $0x4000  }
0x14: {  	[sflag:s24] =	ssyncset.done $0x0  }
0x15: {  	s26 =	simm.s32 $0xA;
	[sflag:s24] =	ssyncadd.s32 $0xFFFFC000  }
0x16: {  	_ =	swait.ge [sflag:s26], $0x4000  }
0x17: {  	[sflag:s26] =	ssyncset.done $0x0  }
0x18: {  	s30 =	simm.s32 $0xB;
	[sflag:s26] =	ssyncadd.s32 $0xFFFFC000  }
0x19: {  	_ =	swait.ge [sflag:s30], $0x4000  }
0x1a: {  	[sflag:s30] =	ssyncset.done $0x0  }
0x1b: {  	s3 =	simm.s32 $0xC;
	[sflag:s30] =	ssyncadd.s32 $0xFFFFC000  }
0x1c: {  	_ =	swait.ge [sflag:s3], $0x4000  }
0x1d: {  	s4 =	rddreg [dreg:$0xc]  }
0x1e: {  	s31 =	rddreg [dreg:$0xb];
	s4 =	sadd.s32 $0x1, s4  }
0x1f: {  	p0 =	sne.s32 s4, s31  }
.Ltmp1:
0x20: {  	_ = 	snop;
	(pc) =	sbr.rel @!p0 .LBB2_65-.Ltmp1, $3  }
0x21: {  	_ =	sdelay $0x1  }
0x22: {  	[sflag:s3] =	ssyncset.done $0x0  }
0x23: {  	[sflag:s3] =	ssyncadd.s32 $0xFFFFC000  }
.LBB2_1:
0x24: {  	[dreg:$0xc] =	wrdreg s4  }
0x25: {  	s1 =	rddreg [dreg:$0x2];
	s3 =	simm.s32 $0x0;
	s17 =	simm.s32 $0x1C00  }
0x26: {  	[tilespmem:s17], [sflag:$0x1] =	stream.linear.gather [hbm4b:s1+s3], $0x200, $0x38;
	[tilespmem:$0x16A80] =	vst v63  }
0x27: {  	s20 =	rddreg [dreg:$0x5];
	s21 =	simm.s32 $0x400;
	s5 =	simm.s32 $0x8000  }
0x28: {  	[tilespmem:s3], [sflag:$0x2] =	stream.strided.gather [hbm4b:s20+s21], $0x1800, s5, s21, $0x38;
	[tilespmem:$0x16A80] =	vst v63  }
0x29: {  	s24 =	rddreg [dreg:$0x6];
	s26 =	simm.s32 $0x1800;
	s30 =	simm.s32 $0x2  }
0x2a: {  	[tilespmem:s26], [sflag:$0x2] =	stream.linear.gather [hbm4b:s24+s3], $0x100, $0x38;
	[tilespmem:$0x16A80] =	vst v63  }
0x2b: {  	_ =	swait.ge [sflag:s30], $0x1900  }
0x2c: {  	[sflag:s30] =	ssyncset.done $0x0  }
0x2d: {  	[sflag:s30] =	ssyncadd.s32 $0xFFFFE700  }
0x2e: {  	v2 =	vld [tilespmem:s3+$0x0];
	_ =	sdelay $0x4  }
0x2f: {  	vm0 =	vlt.s32 v2, $0x4  }
0x30: {  	v3 =	vsel vm0, $0x1, v1  }
0x31: {  	(xrf0) =	vadd.scan.msk.s32 $0xffff, v3;
	_ =	sdelay $0x2  }
0x32: {  	v3 =	vmov s3  }
0x33: {  	v3 =	vadd.s32 $0xFFFFFFFF, v3  }
0x34: {  	v3 =	vbroadcast v3, $0x0  }
0x35: {  	v4, _, _ =	vpop (xrf0)  }
0x36: {  	v5 =	vadd.s32 $0xFFFFFFFC, v2;
	(v2sf) =	vpush v4, $0xF;
	v3 =	vadd.s32 v4, v3  }
0x37: {  	vm1 =	vgt.s32 v5, $0x0  }
0x38: {  	v4 =	vnsel vm1, $0x0, v5  }
0x39: {  	s31 =	simm.s32 $0x1E00;
	v4 =	vmin.u32 v4, $0x1869F  }
0x3a: {  	v5 =	vor.u32 s3, v0;
	[tilespmem:s31+$0x0] =	vst v4  }
0x3b: {  	[tilespmem:v3+s18+$0x0] =	vst.idx.msk vm0, v5  }
0x3c: {  	s1 =	simm.s32 $0x10;
	[tilespmem:v3+s19+$0x0] =	vst.idx.msk vm0, v2  }
0x3d: {  	v2 =	vld [tilespmem:s1+$0x0];
	_ =	sdelay $0x4  }
0x3e: {  	v3 =	vadd.s32 $0xFFFFFFFC, v2;
	vm0 =	vlt.s32 v2, $0x4  }
0x3f: {  	vm1 =	vgt.s32 v3, $0x0;
	v4 =	vsel vm0, $0x1, v1  }
0x40: {  	s6 =	simm.s32 $0x20;
	s7 =	simm.s32 $0x0;
	v3 =	vnsel vm1, $0x0, v3;
	(xrf0) =	vadd.scan.msk.s32 $0xffff, v4  }
0x41: {  	s8 =	simm.s32 $0x10;
	s3 =	simm.s32 $0x1E00;
	s9 =	spop (v2sf);
	v3 =	vmin.u32 v3, $0x1869F  }
.LBB2_2:
0x42: {  	p0 =	sne.s32 s6, $0x70;
	s7 =	sadd.s32 s7, s9;
	s3 =	sadd.s32 $0x10, s3  }
0x43: {  	s4 =	smov.u32 s6;
	s6 =	sadd.s32 $0x10, s6;
	v4 =	vmov s7  }
0x44: {  	v4 =	vadd.s32 $0xFFFFFFFF, v4  }
0x45: {  	v4 =	vbroadcast v4, $0x0  }
0x46: {  	v5, _, _ =	vpop (xrf0)  }
0x47: {  	v4 =	vadd.s32 v5, v4;
	(v2sf) =	vpush v5, $0xF;
	_ =	sdelay $0x3  }
0x48: {  	v5 =	vor.u32 s1, v0;
	s1 =	smov.u32 s4;
	[tilespmem:s3+$0x0] =	vst v3  }
0x49: {  	[tilespmem:v4+s18+$0x0] =	vst.idx.msk vm0, v5  }
0x4a: {  	s8 =	sadd.s32 $0x10, s8;
	[tilespmem:v4+s19+$0x0] =	vst.idx.msk vm0, v2  }
0x4b: {  	v2 =	vld [tilespmem:s8+$0x0];
	_ =	sdelay $0x3  }
.Ltmp2:
0x4c: {  	(pc) =	sbr.rel @p0 .LBB2_2-.Ltmp2, $4  }
0x4d: {  	vm0 =	vlt.s32 v2, $0x4;
	v3 =	vadd.s32 $0xFFFFFFFC, v2  }
0x4e: {  	vm1 =	vgt.s32 v3, $0x0;
	v4 =	vsel vm0, $0x1, v1  }
0x4f: {  	v3 =	vnsel vm1, $0x0, v3;
	(xrf0) =	vadd.scan.msk.s32 $0xffff, v4  }
0x50: {  	v3 =	vmin.u32 v3, $0x1869F;
	s9 =	spop (v2sf)  }
0x51: {  	s4 =	sadd.s32 s7, s9  }
0x52: {  	v4 =	vmov s4  }
0x53: {  	v4 =	vadd.s32 $0xFFFFFFFF, v4  }
0x54: {  	v4 =	vbroadcast v4, $0x0  }
0x55: {  	v5, _, _ =	vpop (xrf0)  }
0x56: {  	v4 =	vadd.s32 v5, v4;
	_ =	sdelay $0x2  }
0x57: {  	s3 =	sadd.s32 $0x10, s3  }
0x58: {  	[tilespmem:s3+$0x0] =	vst v3;
	v3 =	vor.u32 s1, v0  }
0x59: {  	s26 =	simm.s32 $0x80;
	[tilespmem:v4+s18+$0x0] =	vst.idx.msk vm0, v3  }
0x5a: {  	s30 =	rddreg [dreg:$0x1];
	s5 =	simm.s32 $0x1E00;
	s6 =	simm.s32 $0x2080;
	[tilespmem:v4+s19+$0x0] =	vst.idx.msk vm0, v2  }
0x5b: {  	[tilespmem:s6], [sflag:$0x3] =	stream.indirect.gather [hbm4b:s30+s26], $0x80, s5, s26, $0xb8;
	[tilespmem:$0x16A80] =	vst v63  }
0x5c: {  	v2 =	vld [tilespmem:s26+$0x0];
	_ =	sdelay $0x4  }
0x5d: {  	vm0 =	vlt.s32 v2, $0x4  }
0x5e: {  	v3 =	vsel vm0, $0x1, v1  }
0x5f: {  	(xrf0) =	vadd.scan.msk.s32 $0xffff, v3;
	_ =	sdelay $0x1  }
0x60: {  	s1 =	simm.s32 $0x0  }
0x61: {  	v3 =	vmov s1  }
0x62: {  	v3 =	vadd.s32 $0xFFFFFFFF, v3  }
0x63: {  	(v2sf) =	vpush v5, $0xF;
	v3 =	vbroadcast v3, $0x0  }
0x64: {  	v4, _, _ =	vpop (xrf0)  }
0x65: {  	v5 =	vadd.s32 $0xFFFFFFFC, v2;
	v3 =	vadd.s32 v4, v3;
	(v2sf) =	vpush v4, $0xF  }
0x66: {  	vm1 =	vgt.s32 v5, $0x0  }
0x67: {  	v4 =	vnsel vm1, $0x0, v5  }
0x68: {  	s3 =	simm.s32 $0x1E80;
	v4 =	vmin.u32 v4, $0x1869F  }
0x69: {  	v5 =	vor.u32 s1, v0;
	[tilespmem:s3+$0x0] =	vst v4  }
0x6a: {  	[tilespmem:v3+s22+$0x0] =	vst.idx.msk vm0, v5  }
0x6b: {  	s6 =	simm.s32 $0x90;
	[tilespmem:v3+s23+$0x0] =	vst.idx.msk vm0, v2  }
0x6c: {  	v2 =	vld [tilespmem:s6+$0x0];
	_ =	sdelay $0x4  }
0x6d: {  	v3 =	vadd.s32 $0xFFFFFFFC, v2;
	vm0 =	vlt.s32 v2, $0x4  }
0x6e: {  	s31 =	spop (v2sf);
	vm1 =	vgt.s32 v3, $0x0;
	v4 =	vsel vm0, $0x1, v1  }
0x6f: {  	s7 =	simm.s32 $0x10;
	s26 =	sadd.s32 s4, s31;
	v3 =	vnsel vm1, $0x0, v3;
	(xrf0) =	vadd.scan.msk.s32 $0xffff, v4  }
0x70: {  	s8 =	simm.s32 $0x20;
	[smem:$0x0] =	sst s26;
	v3 =	vmin.u32 v3, $0x1869F;
	s4 =	spop (v2sf)  }
.LBB2_4:
0x71: {  	p0 =	sne.s32 s8, $0x70;
	s1 =	sadd.s32 s1, s4;
	s3 =	sadd.s32 $0x10, s3  }
0x72: {  	s4 =	smov.u32 s8;
	s8 =	sadd.s32 $0x10, s8;
	v4 =	vmov s1  }
0x73: {  	v4 =	vadd.s32 $0xFFFFFFFF, v4  }
0x74: {  	v4 =	vbroadcast v4, $0x0  }
0x75: {  	v5, _, _ =	vpop (xrf0)  }
0x76: {  	v4 =	vadd.s32 v5, v4;
	(v2sf) =	vpush v5, $0xF;
	_ =	sdelay $0x3  }
0x77: {  	v5 =	vor.u32 s7, v0;
	s7 =	smov.u32 s4;
	[tilespmem:s3+$0x0] =	vst v3  }
0x78: {  	[tilespmem:v4+s22+$0x0] =	vst.idx.msk vm0, v5  }
0x79: {  	s6 =	sadd.s32 $0x10, s6;
	[tilespmem:v4+s23+$0x0] =	vst.idx.msk vm0, v2  }
0x7a: {  	v2 =	vld [tilespmem:s6+$0x0];
	_ =	sdelay $0x3  }
.Ltmp3:
0x7b: {  	(pc) =	sbr.rel @p0 .LBB2_4-.Ltmp3, $4  }
0x7c: {  	vm0 =	vlt.s32 v2, $0x4;
	v3 =	vadd.s32 $0xFFFFFFFC, v2  }
0x7d: {  	vm1 =	vgt.s32 v3, $0x0;
	v4 =	vsel vm0, $0x1, v1  }
0x7e: {  	v3 =	vnsel vm1, $0x0, v3;
	(xrf0) =	vadd.scan.msk.s32 $0xffff, v4  }
0x7f: {  	v3 =	vmin.u32 v3, $0x1869F;
	s4 =	spop (v2sf)  }
0x80: {  	s4 =	sadd.s32 s1, s4  }
0x81: {  	v4 =	vmov s4  }
0x82: {  	v4 =	vadd.s32 $0xFFFFFFFF, v4  }
0x83: {  	v4 =	vbroadcast v4, $0x0  }
0x84: {  	v5, _, _ =	vpop (xrf0)  }
0x85: {  	v4 =	vadd.s32 v5, v4;
	_ =	sdelay $0x2  }
0x86: {  	s17 =	sadd.s32 $0x10, s3  }
0x87: {  	[tilespmem:s17+$0x0] =	vst v3;
	v3 =	vor.u32 s7, v0  }
0x88: {  	s20 =	rddreg [dreg:$0x1];
	s21 =	simm.s32 $0x80;
	[tilespmem:v4+s22+$0x0] =	vst.idx.msk vm0, v3  }
0x89: {  	s5 =	simm.s32 $0x1E80;
	s6 =	simm.s32 $0x6080;
	s24 =	simm.s32 $0x100;
	[tilespmem:v4+s23+$0x0] =	vst.idx.msk vm0, v2  }
0x8a: {  	[tilespmem:s6], [sflag:$0x4] =	stream.indirect.gather [hbm4b:s20+s21], $0x80, s5, s21, $0xb8;
	[tilespmem:$0x16A80] =	vst v63  }
0x8b: {  	v2 =	vld [tilespmem:s24+$0x0];
	_ =	sdelay $0x4  }
0x8c: {  	vm0 =	vlt.s32 v2, $0x4  }
0x8d: {  	v3 =	vsel vm0, $0x1, v1  }
0x8e: {  	(xrf0) =	vadd.scan.msk.s32 $0xffff, v3;
	_ =	sdelay $0x1  }
0x8f: {  	s1 =	simm.s32 $0x0  }
0x90: {  	v3 =	vmov s1  }
0x91: {  	v3 =	vadd.s32 $0xFFFFFFFF, v3  }
0x92: {  	(v2sf) =	vpush v5, $0xF;
	v3 =	vbroadcast v3, $0x0  }
0x93: {  	v4, _, _ =	vpop (xrf0)  }
0x94: {  	v5 =	vadd.s32 $0xFFFFFFFC, v2;
	v3 =	vadd.s32 v4, v3;
	(v2sf) =	vpush v4, $0xF  }
0x95: {  	vm1 =	vgt.s32 v5, $0x0  }
0x96: {  	v4 =	vnsel vm1, $0x0, v5  }
0x97: {  	s3 =	simm.s32 $0x1F00;
	v4 =	vmin.u32 v4, $0x1869F  }
0x98: {  	v5 =	vor.u32 s1, v0;
	[tilespmem:s3+$0x0] =	vst v4  }
0x99: {  	[tilespmem:v3+s28+$0x0] =	vst.idx.msk vm0, v5  }
0x9a: {  	s6 =	simm.s32 $0x110;
	[tilespmem:v3+s29+$0x0] =	vst.idx.msk vm0, v2  }
0x9b: {  	v2 =	vld [tilespmem:s6+$0x0];
	_ =	sdelay $0x4  }
0x9c: {  	v3 =	vadd.s32 $0xFFFFFFFC, v2;
	vm0 =	vlt.s32 v2, $0x4  }
0x9d: {  	s30 =	spop (v2sf);
	vm1 =	vgt.s32 v3, $0x0;
	v4 =	vsel vm0, $0x1, v1  }
0x9e: {  	s8 =	simm.s32 $0x20;
	s31 =	sadd.s32 s4, s30;
	v3 =	vnsel vm1, $0x0, v3;
	(xrf0) =	vadd.scan.msk.s32 $0xffff, v4  }
0x9f: {  	s7 =	simm.s32 $0x10;
	[smem:$0x1] =	sst s31;
	v3 =	vmin.u32 v3, $0x1869F;
	s4 =	spop (v2sf)  }
.LBB2_6:
0xa0: {  	p0 =	sne.s32 s8, $0x70;
	s1 =	sadd.s32 s1, s4;
	s3 =	sadd.s32 $0x10, s3  }
0xa1: {  	s4 =	smov.u32 s8;
	s8 =	sadd.s32 $0x10, s8;
	v4 =	vmov s1  }
0xa2: {  	v4 =	vadd.s32 $0xFFFFFFFF, v4  }
0xa3: {  	v4 =	vbroadcast v4, $0x0  }
0xa4: {  	v5, _, _ =	vpop (xrf0)  }
0xa5: {  	v4 =	vadd.s32 v5, v4;
	(v2sf) =	vpush v5, $0xF;
	_ =	sdelay $0x3  }
0xa6: {  	v5 =	vor.u32 s7, v0;
	s7 =	smov.u32 s4;
	[tilespmem:s3+$0x0] =	vst v3  }
0xa7: {  	[tilespmem:v4+s28+$0x0] =	vst.idx.msk vm0, v5  }
0xa8: {  	s6 =	sadd.s32 $0x10, s6;
	[tilespmem:v4+s29+$0x0] =	vst.idx.msk vm0, v2  }
0xa9: {  	v2 =	vld [tilespmem:s6+$0x0];
	_ =	sdelay $0x3  }
.Ltmp4:
0xaa: {  	(pc) =	sbr.rel @p0 .LBB2_6-.Ltmp4, $4  }
0xab: {  	vm0 =	vlt.s32 v2, $0x4;
	v3 =	vadd.s32 $0xFFFFFFFC, v2  }
0xac: {  	vm1 =	vgt.s32 v3, $0x0;
	v4 =	vsel vm0, $0x1, v1  }
0xad: {  	v3 =	vnsel vm1, $0x0, v3;
	(xrf0) =	vadd.scan.msk.s32 $0xffff, v4  }
0xae: {  	v3 =	vmin.u32 v3, $0x1869F;
	s4 =	spop (v2sf)  }
0xaf: {  	s4 =	sadd.s32 s1, s4  }
0xb0: {  	v4 =	vmov s4  }
0xb1: {  	v4 =	vadd.s32 $0xFFFFFFFF, v4  }
0xb2: {  	v4 =	vbroadcast v4, $0x0  }
0xb3: {  	v5, _, _ =	vpop (xrf0)  }
0xb4: {  	v4 =	vadd.s32 v5, v4;
	_ =	sdelay $0x2  }
0xb5: {  	s17 =	sadd.s32 $0x10, s3  }
0xb6: {  	[tilespmem:s17+$0x0] =	vst v3;
	v3 =	vor.u32 s7, v0  }
0xb7: {  	s20 =	rddreg [dreg:$0x1];
	s21 =	simm.s32 $0x80;
	[tilespmem:v4+s28+$0x0] =	vst.idx.msk vm0, v3  }
0xb8: {  	s5 =	simm.s32 $0x1F00;
	s6 =	simm.s32 $0xA080;
	s24 =	simm.s32 $0x180;
	[tilespmem:v4+s29+$0x0] =	vst.idx.msk vm0, v2  }
0xb9: {  	[tilespmem:s6], [sflag:$0x5] =	stream.indirect.gather [hbm4b:s20+s21], $0x80, s5, s21, $0xb8;
	[tilespmem:$0x16A80] =	vst v63  }
0xba: {  	v2 =	vld [tilespmem:s24+$0x0];
	_ =	sdelay $0x4  }
0xbb: {  	vm0 =	vlt.s32 v2, $0x4  }
0xbc: {  	v3 =	vsel vm0, $0x1, v1  }
0xbd: {  	(xrf0) =	vadd.scan.msk.s32 $0xffff, v3;
	_ =	sdelay $0x1  }
0xbe: {  	s1 =	simm.s32 $0x0  }
0xbf: {  	v3 =	vmov s1  }
0xc0: {  	v3 =	vadd.s32 $0xFFFFFFFF, v3  }
0xc1: {  	(v2sf) =	vpush v5, $0xF;
	v3 =	vbroadcast v3, $0x0  }
0xc2: {  	v4, _, _ =	vpop (xrf0)  }
0xc3: {  	v5 =	vadd.s32 $0xFFFFFFFC, v2;
	v3 =	vadd.s32 v4, v3;
	(v2sf) =	vpush v4, $0xF  }
0xc4: {  	vm1 =	vgt.s32 v5, $0x0  }
0xc5: {  	v4 =	vnsel vm1, $0x0, v5  }
0xc6: {  	s3 =	simm.s32 $0x1F80;
	v4 =	vmin.u32 v4, $0x1869F  }
0xc7: {  	v5 =	vor.u32 s1, v0;
	[tilespmem:s3+$0x0] =	vst v4  }
0xc8: {  	[tilespmem:v3+s0+$0x0] =	vst.idx.msk vm0, v5  }
0xc9: {  	s6 =	simm.s32 $0x190;
	[tilespmem:v3+s2+$0x0] =	vst.idx.msk vm0, v2  }
0xca: {  	v2 =	vld [tilespmem:s6+$0x0];
	_ =	sdelay $0x4  }
0xcb: {  	v3 =	vadd.s32 $0xFFFFFFFC, v2;
	vm0 =	vlt.s32 v2, $0x4  }
0xcc: {  	s30 =	spop (v2sf);
	vm1 =	vgt.s32 v3, $0x0;
	v4 =	vsel vm0, $0x1, v1  }
0xcd: {  	s8 =	simm.s32 $0x20;
	s11 =	sadd.s32 s4, s30;
	v3 =	vnsel vm1, $0x0, v3;
	(xrf0) =	vadd.scan.msk.s32 $0xffff, v4  }
0xce: {  	s7 =	simm.s32 $0x10;
	[smem:$0x2] =	sst s11;
	v3 =	vmin.u32 v3, $0x1869F;
	s9 =	spop (v2sf)  }
.LBB2_8:
0xcf: {  	p0 =	sne.s32 s8, $0x70;
	s1 =	sadd.s32 s1, s9;
	s3 =	sadd.s32 $0x10, s3  }
0xd0: {  	s4 =	smov.u32 s8;
	s8 =	sadd.s32 $0x10, s8;
	v4 =	vmov s1  }
0xd1: {  	v4 =	vadd.s32 $0xFFFFFFFF, v4  }
0xd2: {  	v4 =	vbroadcast v4, $0x0  }
0xd3: {  	v5, _, _ =	vpop (xrf0)  }
0xd4: {  	v4 =	vadd.s32 v5, v4;
	(v2sf) =	vpush v5, $0xF;
	_ =	sdelay $0x3  }
0xd5: {  	v5 =	vor.u32 s7, v0;
	s7 =	smov.u32 s4;
	[tilespmem:s3+$0x0] =	vst v3  }
0xd6: {  	[tilespmem:v4+s0+$0x0] =	vst.idx.msk vm0, v5  }
0xd7: {  	s6 =	sadd.s32 $0x10, s6;
	[tilespmem:v4+s2+$0x0] =	vst.idx.msk vm0, v2  }
0xd8: {  	v2 =	vld [tilespmem:s6+$0x0];
	_ =	sdelay $0x3  }
.Ltmp5:
0xd9: {  	(pc) =	sbr.rel @p0 .LBB2_8-.Ltmp5, $4  }
0xda: {  	vm0 =	vlt.s32 v2, $0x4;
	v3 =	vadd.s32 $0xFFFFFFFC, v2  }
0xdb: {  	vm1 =	vgt.s32 v3, $0x0;
	v4 =	vsel vm0, $0x1, v1  }
0xdc: {  	v3 =	vnsel vm1, $0x0, v3;
	(xrf0) =	vadd.scan.msk.s32 $0xffff, v4  }
0xdd: {  	v3 =	vmin.u32 v3, $0x1869F;
	s9 =	spop (v2sf)  }
0xde: {  	_ =	sdelay $0x3  }
0xdf: {  	v4, _, _ =	vpop (xrf0)  }
0xe0: {  	(v2sf) =	vpush v4, $0xF;
	_ =	sdelay $0x1  }
0xe1: {  	s1 =	sadd.s32 s1, s9  }
0xe2: {  	v5 =	vmov s1  }
0xe3: {  	v5 =	vadd.s32 $0xFFFFFFFF, v5  }
0xe4: {  	v5 =	vbroadcast v5, $0x0;
	_ =	sdelay $0x1  }
0xe5: {  	v4 =	vadd.s32 v4, v5;
	_ =	sdelay $0x2  }
0xe6: {  	s3 =	sadd.s32 $0x10, s3  }
0xe7: {  	v63 =	vor.u32 s7, v0;
	[tilespmem:s3+$0x0] =	vst v3  }
0xe8: {  	s21 =	rddreg [dreg:$0x1];
	[tilespmem:v4+s0+$0x0] =	vst.idx.msk vm0, v63  }
0xe9: {  	s24 =	simm.s32 $0x80;
	s4 =	simm.s32 $0x1F80;
	s5 =	simm.s32 $0xE080;
	[tilespmem:v4+s2+$0x0] =	vst.idx.msk vm0, v2  }
0xea: {  	[tilespmem:s5], [sflag:$0x6] =	stream.indirect.gather [hbm4b:s21+s24], $0x80, s4, s24, $0xb8;
	[tilespmem:$0x16A80] =	vst v63  }
0xeb: {  	s20 =	spop (v2sf)  }
.Ltmp6:
0xec: {  	s13 =	sadd.s32 s1, s20;
	(pc) =	sbr.rel .LBB2_10-.Ltmp6, $4  }
0xed: {  	s30 =	simm.s32 $0x1;
	[smem:$0x3] =	sst s13  }
0xee: {  	s7 =	simm.s32 $0x300;
	s9 =	simm.s32 $0x400;
	_ =	swait.ge [sflag:s30], $0x200  }
0xef: {  	s10 =	simm.s32 $0x0;
	s3 =	simm.s32 $0x200;
	[sflag:s30] =	ssyncset.done $0x0  }
0xf0: {  	s21 =	simm.s32 $0x380;
	s20 =	simm.s32 $0x280;
	[sflag:s30] =	ssyncadd.s32 $0xFFFFFE00  }
.LBB2_58:
0xf1: {  	s1 =	simm.s32 $0x16480  }
.LBB2_62:
0xf2: {  	(v2sf) =	vpush v2, $0x0;
	s1 =	sadd.s32 @p0 $0x1, s1  }
0xf3: {  	s6 =	smov.u32 @p0 s1  }
0xf4: {  	v2 =	vld [tilespmem:s6+$0x0];
	_ =	sdelay $0x4  }
0xf5: {  	(v2sf) =	vpush v2, $0x0;
	_ =	sdelay $0x7  }
0xf6: {  	s1 =	spop (v2sf)  }
0xf7: {  	p0 =	sgt.s32 s1, $0x0  }
0xf8: {  	s1 =	simm.s32 @!p0 $0x0  }
0xf9: {  	s1 =	sshll.u32 s1, $0x9  }
0xfa: {  	s1 =	sshra.s32 s1, $0x2  }
0xfb: {  	v2 =	vld [tilespmem:s1+$0x1C00];
	_ =	sdelay $0x1  }
0xfc: {  	s4 =	spop (v2sf)  }
0xfd: {  	s4 =	sshll.u32 s4, $0x9  }
0xfe: {  	s4 =	sshra.s32 s4, $0x2  }
0xff: {  	[tilespmem:s4+$0x12080] =	vst v2  }
0x100: {  	v2 =	vld [tilespmem:s1+$0x1C10];
	_ =	sdelay $0x4  }
0x101: {  	[tilespmem:s4+$0x12090] =	vst v2  }
0x102: {  	v2 =	vld [tilespmem:s1+$0x1C20];
	_ =	sdelay $0x4  }
0x103: {  	[tilespmem:s4+$0x120A0] =	vst v2  }
0x104: {  	v2 =	vld [tilespmem:s1+$0x1C30];
	_ =	sdelay $0x4  }
0x105: {  	[tilespmem:s4+$0x120B0] =	vst v2  }
0x106: {  	v2 =	vld [tilespmem:s1+$0x1C40];
	_ =	sdelay $0x4  }
0x107: {  	[tilespmem:s4+$0x120C0] =	vst v2  }
0x108: {  	v2 =	vld [tilespmem:s1+$0x1C50];
	_ =	sdelay $0x4  }
0x109: {  	[tilespmem:s4+$0x120D0] =	vst v2  }
0x10a: {  	v2 =	vld [tilespmem:s1+$0x1C60];
	_ =	sdelay $0x4  }
0x10b: {  	[tilespmem:s4+$0x120E0] =	vst v2  }
0x10c: {  	v2 =	vld [tilespmem:s1+$0x1C70];
	_ =	sdelay $0x4  }
0x10d: {  	[tilespmem:s4+$0x120F0] =	vst v2  }
.LBB2_63:
0x10e: {  	s10 =	sadd.s32 $0x1, s10  }
0x10f: {  	s4 =	rddreg [dreg:$0x7];
	p0 =	sne.s32 s10, $0xA  }
.Ltmp7:
0x110: {  	s1 =	sshll.u32 s12, $0x13;
	s24 =	rddreg [dreg:$0x3];
	(pc) =	sbr.rel @!p0 .LBB2_64-.Ltmp7, $4  }
0x111: {  	s30 =	simm.s32 $0x0;
	s3 =	sadd.s32 $0x280, s3;
	s1 =	sor.u32 s4, s1  }
0x112: {  	s20 =	sadd.s32 $0x280, s20;
	s7 =	sadd.s32 $0x280, s7;
	s1 =	sshrl.u32 s1, $0x3  }
0x113: {  	s21 =	sadd.s32 $0x280, s21;
	s9 =	sadd.s32 $0x280, s9;
	s1 =	sadd.s32 s24, s1  }
0x114: {  	[hbm4b:s1+s30] =	stream.linear.scatter [tilespmem:s25], [sflag:$0xC], $0x4000, $0x38;
	[tilespmem:$0x16A80] =	vst v63  }
.LBB2_10:
0x115: {  	p0 =	seq.s32 s10, $0x0  }
0x116: {  	s1 =	simm.s32 @!p0 $0xC  }
0x117: {  	_ =	swait.ge @!p0 [sflag:s1], $0x4000  }
0x118: {  	[sflag:s1] =	ssyncset.done @!p0 $0x0  }
0x119: {  	[sflag:s1] =	ssyncadd.s32 @!p0 $0xFFFFC000  }
0x11a: {  	v2 =	vld [tilespmem:s3+$0x0];
	_ =	sdelay $0x4  }
0x11b: {  	vm0 =	vlt.s32 v2, $0x4  }
0x11c: {  	v3 =	vsel vm0, $0x1, v1  }
0x11d: {  	(xrf0) =	vadd.scan.msk.s32 $0xffff, v3;
	_ =	sdelay $0x1  }
0x11e: {  	s4 =	simm.s32 $0x0  }
0x11f: {  	v3 =	vmov s4  }
0x120: {  	v3 =	vadd.s32 $0xFFFFFFFF, v3  }
0x121: {  	v3 =	vbroadcast v3, $0x0  }
0x122: {  	v4, _, _ =	vpop (xrf0)  }
0x123: {  	v5 =	vadd.s32 $0xFFFFFFFC, v2;
	v3 =	vadd.s32 v4, v3;
	(v2sf) =	vpush v4, $0xF  }
0x124: {  	vm1 =	vgt.s32 v5, $0x0  }
0x125: {  	v4 =	vnsel vm1, $0x0, v5  }
0x126: {  	s1 =	simm.s32 $0x2000;
	v4 =	vmin.u32 v4, $0x1869F  }
0x127: {  	v5 =	vor.u32 s4, v0;
	[tilespmem:s1+$0x0] =	vst v4  }
0x128: {  	[tilespmem:v3+s15+$0x0] =	vst.idx.msk vm0, v5  }
0x129: {  	s6 =	sadd.s32 $0x10, s3;
	[tilespmem:v3+s16+$0x0] =	vst.idx.msk vm0, v2  }
0x12a: {  	v2 =	vld [tilespmem:s6+$0x0];
	_ =	sdelay $0x4  }
0x12b: {  	v3 =	vadd.s32 $0xFFFFFFFC, v2;
	vm0 =	vlt.s32 v2, $0x4  }
0x12c: {  	s30 =	smul.u32 $0x5, s10;
	vm1 =	vgt.s32 v3, $0x0;
	v4 =	vsel vm0, $0x1, v1  }
0x12d: {  	s8 =	simm.s32 $0x10;
	s14 =	simm.s32 $0x20;
	v3 =	vnsel vm1, $0x0, v3;
	(xrf0) =	vadd.scan.msk.s32 $0xffff, v4  }
0x12e: {  	s17 =	simm.s32 $0x0;
	s12 =	sadd.s32 $0x4, s30;
	v3 =	vmin.u32 v3, $0x1869F;
	s24 =	spop (v2sf)  }
.LBB2_11:
0x12f: {  	p0 =	sne.s32 s14, $0x70;
	s17 =	sadd.s32 s17, s24;
	s1 =	sadd.s32 $0x10, s1  }
0x130: {  	s4 =	smov.u32 s14;
	s14 =	sadd.s32 $0x10, s14;
	v4 =	vmov s17  }
0x131: {  	v4 =	vadd.s32 $0xFFFFFFFF, v4  }
0x132: {  	v4 =	vbroadcast v4, $0x0  }
0x133: {  	v5, _, _ =	vpop (xrf0)  }
0x134: {  	v4 =	vadd.s32 v5, v4;
	(v2sf) =	vpush v5, $0xF;
	_ =	sdelay $0x3  }
0x135: {  	v5 =	vor.u32 s8, v0;
	s8 =	smov.u32 s4;
	[tilespmem:s1+$0x0] =	vst v3  }
0x136: {  	[tilespmem:v4+s15+$0x0] =	vst.idx.msk vm0, v5  }
0x137: {  	s6 =	sadd.s32 $0x10, s6;
	[tilespmem:v4+s16+$0x0] =	vst.idx.msk vm0, v2  }
0x138: {  	v2 =	vld [tilespmem:s6+$0x0];
	_ =	sdelay $0x3  }
.Ltmp8:
0x139: {  	(pc) =	sbr.rel @p0 .LBB2_11-.Ltmp8, $4  }
0x13a: {  	vm0 =	vlt.s32 v2, $0x4;
	v3 =	vadd.s32 $0xFFFFFFFC, v2  }
0x13b: {  	vm1 =	vgt.s32 v3, $0x0;
	v4 =	vsel vm0, $0x1, v1  }
0x13c: {  	v3 =	vnsel vm1, $0x0, v3;
	(xrf0) =	vadd.scan.msk.s32 $0xffff, v4  }
0x13d: {  	v3 =	vmin.u32 v3, $0x1869F;
	s24 =	spop (v2sf)  }
0x13e: {  	_ =	sdelay $0x3  }
0x13f: {  	v4, _, _ =	vpop (xrf0)  }
0x140: {  	(v2sf) =	vpush v4, $0xF;
	_ =	sdelay $0x1  }
0x141: {  	s6 =	sadd.s32 s17, s24  }
0x142: {  	v5 =	vmov s6  }
0x143: {  	v5 =	vadd.s32 $0xFFFFFFFF, v5  }
0x144: {  	v5 =	vbroadcast v5, $0x0;
	_ =	sdelay $0x1  }
0x145: {  	v4 =	vadd.s32 v4, v5;
	_ =	sdelay $0x2  }
0x146: {  	s1 =	sadd.s32 $0x10, s1  }
0x147: {  	v63 =	vor.u32 s8, v0;
	[tilespmem:s1+$0x0] =	vst v3  }
0x148: {  	[tilespmem:v4+s15+$0x0] =	vst.idx.msk vm0, v63  }
0x149: {  	s24 =	rddreg [dreg:$0x1];
	s4 =	simm.s32 $0x80;
	s5 =	simm.s32 $0x2000;
	[tilespmem:v4+s16+$0x0] =	vst.idx.msk vm0, v2  }
0x14a: {  	[tilespmem:s25], [sflag:$0x7] =	stream.indirect.gather [hbm4b:s24+s4], $0x80, s5, s4, $0xb8;
	[tilespmem:$0x16A80] =	vst v63  }
0x14b: {  	p0 =	slt.s32 s26, $0x1;
	s17 =	spop (v2sf)  }
.Ltmp9:
0x14c: {  	s14 =	sadd.s32 s6, s17;
	(pc) =	sbr.rel @p0 .LBB2_19-.Ltmp9, $4  }
0x14d: {  	s30 =	simm.s32 $0x3;
	[smem:$0x4] =	sst s14  }
0x14e: {  	_ =	swait.ge [sflag:s30], $0x4000  }
0x14f: {  	[sflag:s30] =	ssyncset.done $0x0  }
0x150: {  	[sflag:s30] =	ssyncadd.s32 $0xFFFFC000  }
0x151: {  	p1 =	sne.s32 s26, $0x1  }
.Ltmp10:
0x152: {  	_ = 	snop;
	(pc) =	sbr.rel @!p1 .LBB2_14-.Ltmp10, $3  }
0x153: {  	_ =	sdelay $0x1  }
0x154: {  	s1 =	simm.s32 $0x16580  }
0x155: {  	s25 =	simm.s32 $0x16080;
	s8 =	sadd.s32 $0xFFFFFFFF, s26;
	p0 =	por $0x0, $0x0;
	v2 =	vld [tilespmem:s1+$0x0]  }
0x156: {  	_ =	sdelay $0x3  }
0x157: {  	(v2sf) =	vpush v2, $0x0;
	_ =	sdelay $0x1  }
0x158: {  	v2 =	vld [tilespmem:s25+$0x0];
	_ =	sdelay $0x4  }
0x159: {  	(v2sf) =	vpush v2, $0x0;
	_ =	sdelay $0x7  }
0x15a: {  	s1 =	spop (v2sf)  }
0x15b: {  	p0 =	sgt.s32 s1, $0x0  }
0x15c: {  	s1 =	simm.s32 @!p0 $0x0  }
0x15d: {  	s1 =	sshll.u32 s1, $0x9  }
0x15e: {  	s1 =	sshra.s32 s1, $0x2  }
0x15f: {  	v2 =	vld [tilespmem:s1+$0x1C00];
	_ =	sdelay $0x1  }
0x160: {  	s4 =	spop (v2sf)  }
0x161: {  	s4 =	sshll.u32 s4, $0x9  }
0x162: {  	s4 =	sshra.s32 s4, $0x2  }
0x163: {  	[tilespmem:s4+$0x2080] =	vst v2  }
0x164: {  	v2 =	vld [tilespmem:s1+$0x1C10];
	_ =	sdelay $0x4  }
0x165: {  	[tilespmem:s4+$0x2090] =	vst v2  }
0x166: {  	v2 =	vld [tilespmem:s1+$0x1C20];
	_ =	sdelay $0x4  }
0x167: {  	[tilespmem:s4+$0x20A0] =	vst v2  }
0x168: {  	v2 =	vld [tilespmem:s1+$0x1C30];
	_ =	sdelay $0x4  }
0x169: {  	[tilespmem:s4+$0x20B0] =	vst v2  }
0x16a: {  	v2 =	vld [tilespmem:s1+$0x1C40];
	_ =	sdelay $0x4  }
0x16b: {  	[tilespmem:s4+$0x20C0] =	vst v2  }
0x16c: {  	v2 =	vld [tilespmem:s1+$0x1C50];
	_ =	sdelay $0x4  }
0x16d: {  	[tilespmem:s4+$0x20D0] =	vst v2  }
0x16e: {  	v2 =	vld [tilespmem:s1+$0x1C60];
	_ =	sdelay $0x4  }
0x16f: {  	[tilespmem:s4+$0x20E0] =	vst v2  }
0x170: {  	v2 =	vld [tilespmem:s1+$0x1C70]  }
0x171: {  	p1 =	sne.s32 s8, $0x1  }
.Ltmp11:
0x172: {  	_ = 	snop;
	(pc) =	sbr.rel @!p1 .LBB2_16-.Ltmp11, $3  }
0x173: {  	_ =	sdelay $0x1  }
0x174: {  	s1 =	simm.s32 $0x16581;
	[tilespmem:s4+$0x20F0] =	vst v2  }
0x175: {  	s24 =	sadd.s32 $0xFFFFFFFF, s8;
	s30 =	simm.s32 $0x16080;
	p0 =	por $0x1, $0x1;
	v2 =	vld [tilespmem:s1+$0x0]  }
.LBB2_17:
0x176: {  	p1 =	sne.s32 s24, $0x1;
	_ =	sdelay $0x3  }
0x177: {  	(v2sf) =	vpush v2, $0x0  }
0x178: {  	s30 =	sadd.s32 $0x1, s30  }
0x179: {  	v2 =	vld [tilespmem:s30+$0x0];
	_ =	sdelay $0x4  }
0x17a: {  	(v2sf) =	vpush v2, $0x0;
	_ =	sdelay $0x7  }
0x17b: {  	s4 =	spop (v2sf)  }
0x17c: {  	p2 =	sgt.s32 s4, $0x0  }
0x17d: {  	s4 =	simm.s32 @!p2 $0x0  }
0x17e: {  	s4 =	sshll.u32 s4, $0x9  }
0x17f: {  	s4 =	sshra.s32 s4, $0x2  }
0x180: {  	v2 =	vld [tilespmem:s4+$0x1C00];
	_ =	sdelay $0x1  }
0x181: {  	s8 =	spop (v2sf)  }
0x182: {  	s8 =	sshll.u32 s8, $0x9  }
0x183: {  	s8 =	sshra.s32 s8, $0x2  }
0x184: {  	[tilespmem:s8+$0x2080] =	vst v2  }
0x185: {  	v2 =	vld [tilespmem:s4+$0x1C10];
	_ =	sdelay $0x4  }
0x186: {  	[tilespmem:s8+$0x2090] =	vst v2  }
0x187: {  	v2 =	vld [tilespmem:s4+$0x1C20];
	_ =	sdelay $0x4  }
0x188: {  	[tilespmem:s8+$0x20A0] =	vst v2  }
0x189: {  	v2 =	vld [tilespmem:s4+$0x1C30];
	_ =	sdelay $0x4  }
0x18a: {  	[tilespmem:s8+$0x20B0] =	vst v2  }
0x18b: {  	v2 =	vld [tilespmem:s4+$0x1C40];
	_ =	sdelay $0x4  }
0x18c: {  	[tilespmem:s8+$0x20C0] =	vst v2  }
0x18d: {  	v2 =	vld [tilespmem:s4+$0x1C50];
	_ =	sdelay $0x4  }
0x18e: {  	[tilespmem:s8+$0x20D0] =	vst v2  }
0x18f: {  	v2 =	vld [tilespmem:s4+$0x1C60];
	_ =	sdelay $0x4  }
0x190: {  	[tilespmem:s8+$0x20E0] =	vst v2  }
0x191: {  	v2 =	vld [tilespmem:s4+$0x1C70];
	_ =	sdelay $0x1  }
.Ltmp12:
0x192: {  	(pc) =	sbr.rel @p1 .LBB2_17-.Ltmp12, $3  }
0x193: {  	_ =	sdelay $0x1  }
0x194: {  	s1 =	sadd.s32 $0x1, s1;
	[tilespmem:s8+$0x20F0] =	vst v2  }
0x195: {  	s24 =	sadd.s32 $0xFFFFFFFF, s24;
	v2 =	vld [tilespmem:s1+$0x0]  }
.LBB2_18:
0x196: {  	_ =	sdelay $0x3  }
0x197: {  	s1 =	sadd.s32 @p0 $0x1, s30;
	(v2sf) =	vpush v2, $0x0  }
0x198: {  	s25 =	smov.u32 @p0 s1  }
0x199: {  	v2 =	vld [tilespmem:s25+$0x0];
	_ =	sdelay $0x4  }
0x19a: {  	(v2sf) =	vpush v2, $0x0;
	_ =	sdelay $0x7  }
0x19b: {  	s1 =	spop (v2sf)  }
0x19c: {  	p0 =	sgt.s32 s1, $0x0  }
0x19d: {  	s1 =	simm.s32 @!p0 $0x0  }
0x19e: {  	s1 =	sshll.u32 s1, $0x9  }
0x19f: {  	s1 =	sshra.s32 s1, $0x2  }
0x1a0: {  	v2 =	vld [tilespmem:s1+$0x1C00];
	_ =	sdelay $0x1  }
0x1a1: {  	s4 =	spop (v2sf)  }
0x1a2: {  	s4 =	sshll.u32 s4, $0x9  }
0x1a3: {  	s4 =	sshra.s32 s4, $0x2  }
0x1a4: {  	[tilespmem:s4+$0x2080] =	vst v2  }
0x1a5: {  	v2 =	vld [tilespmem:s1+$0x1C10];
	_ =	sdelay $0x4  }
0x1a6: {  	[tilespmem:s4+$0x2090] =	vst v2  }
0x1a7: {  	v2 =	vld [tilespmem:s1+$0x1C20];
	_ =	sdelay $0x4  }
0x1a8: {  	[tilespmem:s4+$0x20A0] =	vst v2  }
0x1a9: {  	v2 =	vld [tilespmem:s1+$0x1C30];
	_ =	sdelay $0x4  }
0x1aa: {  	[tilespmem:s4+$0x20B0] =	vst v2  }
0x1ab: {  	v2 =	vld [tilespmem:s1+$0x1C40];
	_ =	sdelay $0x4  }
0x1ac: {  	[tilespmem:s4+$0x20C0] =	vst v2  }
0x1ad: {  	v2 =	vld [tilespmem:s1+$0x1C50];
	_ =	sdelay $0x4  }
0x1ae: {  	[tilespmem:s4+$0x20D0] =	vst v2  }
0x1af: {  	v2 =	vld [tilespmem:s1+$0x1C60];
	_ =	sdelay $0x4  }
0x1b0: {  	[tilespmem:s4+$0x20E0] =	vst v2  }
0x1b1: {  	v2 =	vld [tilespmem:s1+$0x1C70];
	_ =	sdelay $0x4  }
0x1b2: {  	[tilespmem:s4+$0x20F0] =	vst v2  }
.LBB2_19:
0x1b3: {  	s25 =	smul.u32 $0x280000, s10;
	p0 =	seq.s32 s10, $0x9  }
.Ltmp13:
0x1b4: {  	s1 =	rddreg [dreg:$0x7];
	(pc) =	sbr.rel @p0 .LBB2_23-.Ltmp13, $4  }
0x1b5: {  	s1 =	sor.u32 s1, s25  }
0x1b6: {  	s4 =	rddreg [dreg:$0x3];
	s1 =	sshrl.u32 s1, $0x3  }
0x1b7: {  	s30 =	simm.s32 $0x0;
	s5 =	simm.s32 $0x2080;
	s1 =	sadd.s32 s4, s1  }
0x1b8: {  	[hbm4b:s1+s30] =	stream.linear.scatter [tilespmem:s5], [sflag:$0x8], $0x4000, $0x38;
	[tilespmem:$0x16A80] =	vst v63  }
0x1b9: {  	s1 =	simm.s32 $0x8  }
0x1ba: {  	_ =	swait.ge [sflag:s1], $0x4000  }
0x1bb: {  	[sflag:s1] =	ssyncset.done $0x0  }
0x1bc: {  	[sflag:s1] =	ssyncadd.s32 $0xFFFFC000  }
0x1bd: {  	v2 =	vld [tilespmem:s20+$0x0];
	_ =	sdelay $0x4  }
0x1be: {  	vm0 =	vlt.s32 v2, $0x4  }
0x1bf: {  	v3 =	vsel vm0, $0x1, v1  }
0x1c0: {  	(xrf0) =	vadd.scan.msk.s32 $0xffff, v3;
	_ =	sdelay $0x1  }
0x1c1: {  	s1 =	simm.s32 $0x0  }
0x1c2: {  	v3 =	vmov s1  }
0x1c3: {  	v3 =	vadd.s32 $0xFFFFFFFF, v3  }
0x1c4: {  	v3 =	vbroadcast v3, $0x0  }
0x1c5: {  	v4, _, _ =	vpop (xrf0)  }
0x1c6: {  	v5 =	vadd.s32 $0xFFFFFFFC, v2;
	v3 =	vadd.s32 v4, v3;
	(v2sf) =	vpush v4, $0xF  }
0x1c7: {  	vm1 =	vgt.s32 v5, $0x0  }
0x1c8: {  	v4 =	vnsel vm1, $0x0, v5  }
0x1c9: {  	s8 =	simm.s32 $0x1E00;
	v4 =	vmin.u32 v4, $0x1869F  }
0x1ca: {  	v5 =	vor.u32 s1, v0;
	[tilespmem:s8+$0x0] =	vst v4  }
0x1cb: {  	[tilespmem:v3+s18+$0x0] =	vst.idx.msk vm0, v5  }
0x1cc: {  	s26 =	sadd.s32 $0x10, s20;
	[tilespmem:v3+s19+$0x0] =	vst.idx.msk vm0, v2  }
0x1cd: {  	v2 =	vld [tilespmem:s26+$0x0];
	_ =	sdelay $0x4  }
0x1ce: {  	v3 =	vadd.s32 $0xFFFFFFFC, v2;
	vm0 =	vlt.s32 v2, $0x4  }
0x1cf: {  	vm1 =	vgt.s32 v3, $0x0;
	v4 =	vsel vm0, $0x1, v1  }
0x1d0: {  	v3 =	vnsel vm1, $0x0, v3;
	(xrf0) =	vadd.scan.msk.s32 $0xffff, v4  }
0x1d1: {  	s24 =	simm.s32 $0x10;
	s30 =	simm.s32 $0x20;
	v3 =	vmin.u32 v3, $0x1869F;
	s4 =	spop (v2sf)  }
.LBB2_21:
0x1d2: {  	p1 =	sne.s32 s30, $0x70;
	s1 =	sadd.s32 s1, s4;
	s8 =	sadd.s32 $0x10, s8  }
0x1d3: {  	s4 =	smov.u32 s30;
	s30 =	sadd.s32 $0x10, s30;
	v4 =	vmov s1  }
0x1d4: {  	v4 =	vadd.s32 $0xFFFFFFFF, v4  }
0x1d5: {  	v4 =	vbroadcast v4, $0x0  }
0x1d6: {  	v5, _, _ =	vpop (xrf0)  }
0x1d7: {  	v4 =	vadd.s32 v5, v4;
	(v2sf) =	vpush v5, $0xF;
	_ =	sdelay $0x3  }
0x1d8: {  	v5 =	vor.u32 s24, v0;
	s24 =	smov.u32 s4;
	[tilespmem:s8+$0x0] =	vst v3  }
0x1d9: {  	[tilespmem:v4+s18+$0x0] =	vst.idx.msk vm0, v5  }
0x1da: {  	s26 =	sadd.s32 $0x10, s26;
	[tilespmem:v4+s19+$0x0] =	vst.idx.msk vm0, v2  }
0x1db: {  	v2 =	vld [tilespmem:s26+$0x0];
	_ =	sdelay $0x3  }
.Ltmp14:
0x1dc: {  	(pc) =	sbr.rel @p1 .LBB2_21-.Ltmp14, $4  }
0x1dd: {  	vm0 =	vlt.s32 v2, $0x4;
	v3 =	vadd.s32 $0xFFFFFFFC, v2  }
0x1de: {  	vm1 =	vgt.s32 v3, $0x0;
	v4 =	vsel vm0, $0x1, v1  }
0x1df: {  	v3 =	vnsel vm1, $0x0, v3;
	(xrf0) =	vadd.scan.msk.s32 $0xffff, v4  }
0x1e0: {  	v3 =	vmin.u32 v3, $0x1869F;
	s4 =	spop (v2sf)  }
0x1e1: {  	_ =	sdelay $0x3  }
0x1e2: {  	v4, _, _ =	vpop (xrf0)  }
0x1e3: {  	(v2sf) =	vpush v4, $0xF;
	_ =	sdelay $0x1  }
0x1e4: {  	s1 =	sadd.s32 s1, s4  }
0x1e5: {  	v5 =	vmov s1  }
0x1e6: {  	v5 =	vadd.s32 $0xFFFFFFFF, v5  }
0x1e7: {  	v5 =	vbroadcast v5, $0x0;
	_ =	sdelay $0x1  }
0x1e8: {  	v4 =	vadd.s32 v4, v5;
	_ =	sdelay $0x2  }
0x1e9: {  	s8 =	sadd.s32 $0x10, s8  }
0x1ea: {  	v63 =	vor.u32 s24, v0;
	[tilespmem:s8+$0x0] =	vst v3  }
0x1eb: {  	s5 =	rddreg [dreg:$0x1];
	[tilespmem:v4+s18+$0x0] =	vst.idx.msk vm0, v63  }
0x1ec: {  	s24 =	simm.s32 $0x1E00;
	s30 =	simm.s32 $0x2080;
	s26 =	simm.s32 $0x80;
	[tilespmem:v4+s19+$0x0] =	vst.idx.msk vm0, v2  }
0x1ed: {  	[tilespmem:s30], [sflag:$0x3] =	stream.indirect.gather [hbm4b:s5+s26], $0x80, s24, s26, $0xb8;
	[tilespmem:$0x16A80] =	vst v63  }
0x1ee: {  	s4 =	spop (v2sf)  }
0x1ef: {  	s26 =	sadd.s32 s1, s4  }
0x1f0: {  	[smem:$0x0] =	sst s26  }
.LBB2_23:
0x1f1: {  	p1 =	slt.s32 s31, $0x1  }
.Ltmp15:
0x1f2: {  	_ = 	snop;
	(pc) =	sbr.rel @p1 .LBB2_30-.Ltmp15, $4  }
0x1f3: {  	s1 =	simm.s32 $0x4  }
0x1f4: {  	_ =	swait.ge [sflag:s1], $0x4000  }
0x1f5: {  	[sflag:s1] =	ssyncset.done $0x0  }
0x1f6: {  	[sflag:s1] =	ssyncadd.s32 $0xFFFFC000  }
0x1f7: {  	p2 =	sne.s32 s31, $0x1  }
.Ltmp16:
0x1f8: {  	_ = 	snop;
	(pc) =	sbr.rel @!p2 .LBB2_25-.Ltmp16, $3  }
0x1f9: {  	_ =	sdelay $0x1  }
0x1fa: {  	s1 =	simm.s32 $0x16680  }
0x1fb: {  	s30 =	simm.s32 $0x16180;
	p1 =	por $0x0, $0x0;
	v2 =	vld [tilespmem:s1+$0x0];
	s1 =	sadd.s32 $0xFFFFFFFF, s31  }
0x1fc: {  	_ =	sdelay $0x3  }
0x1fd: {  	(v2sf) =	vpush v2, $0x0;
	_ =	sdelay $0x1  }
0x1fe: {  	v2 =	vld [tilespmem:s30+$0x0];
	_ =	sdelay $0x4  }
0x1ff: {  	(v2sf) =	vpush v2, $0x0;
	_ =	sdelay $0x7  }
0x200: {  	s4 =	spop (v2sf)  }
0x201: {  	p1 =	sgt.s32 s4, $0x0  }
0x202: {  	s4 =	simm.s32 @!p1 $0x0  }
0x203: {  	s4 =	sshll.u32 s4, $0x9  }
0x204: {  	s4 =	sshra.s32 s4, $0x2  }
0x205: {  	v2 =	vld [tilespmem:s4+$0x1C00];
	_ =	sdelay $0x1  }
0x206: {  	s8 =	spop (v2sf)  }
0x207: {  	s8 =	sshll.u32 s8, $0x9  }
0x208: {  	s8 =	sshra.s32 s8, $0x2  }
0x209: {  	[tilespmem:s8+$0x6080] =	vst v2  }
0x20a: {  	v2 =	vld [tilespmem:s4+$0x1C10];
	_ =	sdelay $0x4  }
0x20b: {  	[tilespmem:s8+$0x6090] =	vst v2  }
0x20c: {  	v2 =	vld [tilespmem:s4+$0x1C20];
	_ =	sdelay $0x4  }
0x20d: {  	[tilespmem:s8+$0x60A0] =	vst v2  }
0x20e: {  	v2 =	vld [tilespmem:s4+$0x1C30];
	_ =	sdelay $0x4  }
0x20f: {  	[tilespmem:s8+$0x60B0] =	vst v2  }
0x210: {  	v2 =	vld [tilespmem:s4+$0x1C40];
	_ =	sdelay $0x4  }
0x211: {  	[tilespmem:s8+$0x60C0] =	vst v2  }
0x212: {  	v2 =	vld [tilespmem:s4+$0x1C50];
	_ =	sdelay $0x4  }
0x213: {  	[tilespmem:s8+$0x60D0] =	vst v2  }
0x214: {  	v2 =	vld [tilespmem:s4+$0x1C60];
	_ =	sdelay $0x4  }
0x215: {  	[tilespmem:s8+$0x60E0] =	vst v2  }
0x216: {  	v2 =	vld [tilespmem:s4+$0x1C70]  }
0x217: {  	p2 =	sne.s32 s1, $0x1  }
.Ltmp17:
0x218: {  	_ = 	snop;
	(pc) =	sbr.rel @!p2 .LBB2_27-.Ltmp17, $3  }
0x219: {  	_ =	sdelay $0x1  }
0x21a: {  	s24 =	simm.s32 $0x16681;
	[tilespmem:s8+$0x60F0] =	vst v2  }
0x21b: {  	p1 =	por $0x1, $0x1;
	s8 =	sadd.s32 $0xFFFFFFFF, s1;
	s1 =	simm.s32 $0x16180;
	v2 =	vld [tilespmem:s24+$0x0]  }
.LBB2_28:
0x21c: {  	p2 =	sne.s32 s8, $0x1;
	_ =	sdelay $0x3  }
0x21d: {  	(v2sf) =	vpush v2, $0x0  }
0x21e: {  	s1 =	sadd.s32 $0x1, s1  }
0x21f: {  	v2 =	vld [tilespmem:s1+$0x0];
	_ =	sdelay $0x4  }
0x220: {  	(v2sf) =	vpush v2, $0x0;
	_ =	sdelay $0x7  }
0x221: {  	s4 =	spop (v2sf)  }
0x222: {  	p3 =	sgt.s32 s4, $0x0  }
0x223: {  	s4 =	simm.s32 @!p3 $0x0  }
0x224: {  	s4 =	sshll.u32 s4, $0x9  }
0x225: {  	s4 =	sshra.s32 s4, $0x2  }
0x226: {  	v2 =	vld [tilespmem:s4+$0x1C00];
	_ =	sdelay $0x1  }
0x227: {  	s5 =	spop (v2sf)  }
0x228: {  	s5 =	sshll.u32 s5, $0x9  }
0x229: {  	s5 =	sshra.s32 s5, $0x2  }
0x22a: {  	[tilespmem:s5+$0x6080] =	vst v2  }
0x22b: {  	v2 =	vld [tilespmem:s4+$0x1C10];
	_ =	sdelay $0x4  }
0x22c: {  	[tilespmem:s5+$0x6090] =	vst v2  }
0x22d: {  	v2 =	vld [tilespmem:s4+$0x1C20];
	_ =	sdelay $0x4  }
0x22e: {  	[tilespmem:s5+$0x60A0] =	vst v2  }
0x22f: {  	v2 =	vld [tilespmem:s4+$0x1C30];
	_ =	sdelay $0x4  }
0x230: {  	[tilespmem:s5+$0x60B0] =	vst v2  }
0x231: {  	v2 =	vld [tilespmem:s4+$0x1C40];
	_ =	sdelay $0x4  }
0x232: {  	[tilespmem:s5+$0x60C0] =	vst v2  }
0x233: {  	v2 =	vld [tilespmem:s4+$0x1C50];
	_ =	sdelay $0x4  }
0x234: {  	[tilespmem:s5+$0x60D0] =	vst v2  }
0x235: {  	v2 =	vld [tilespmem:s4+$0x1C60];
	_ =	sdelay $0x4  }
0x236: {  	[tilespmem:s5+$0x60E0] =	vst v2  }
0x237: {  	v2 =	vld [tilespmem:s4+$0x1C70];
	_ =	sdelay $0x1  }
.Ltmp18:
0x238: {  	(pc) =	sbr.rel @p2 .LBB2_28-.Ltmp18, $3  }
0x239: {  	_ =	sdelay $0x1  }
0x23a: {  	s24 =	sadd.s32 $0x1, s24;
	[tilespmem:s5+$0x60F0] =	vst v2  }
0x23b: {  	s8 =	sadd.s32 $0xFFFFFFFF, s8;
	v2 =	vld [tilespmem:s24+$0x0]  }
.LBB2_29:
0x23c: {  	_ =	sdelay $0x3  }
0x23d: {  	s1 =	sadd.s32 @p1 $0x1, s1;
	(v2sf) =	vpush v2, $0x0  }
0x23e: {  	s30 =	smov.u32 @p1 s1  }
0x23f: {  	v2 =	vld [tilespmem:s30+$0x0];
	_ =	sdelay $0x4  }
0x240: {  	(v2sf) =	vpush v2, $0x0;
	_ =	sdelay $0x7  }
0x241: {  	s1 =	spop (v2sf)  }
0x242: {  	p1 =	sgt.s32 s1, $0x0  }
0x243: {  	s1 =	simm.s32 @!p1 $0x0  }
0x244: {  	s1 =	sshll.u32 s1, $0x9  }
0x245: {  	s1 =	sshra.s32 s1, $0x2  }
0x246: {  	v2 =	vld [tilespmem:s1+$0x1C00];
	_ =	sdelay $0x1  }
0x247: {  	s4 =	spop (v2sf)  }
0x248: {  	s4 =	sshll.u32 s4, $0x9  }
0x249: {  	s4 =	sshra.s32 s4, $0x2  }
0x24a: {  	[tilespmem:s4+$0x6080] =	vst v2  }
0x24b: {  	v2 =	vld [tilespmem:s1+$0x1C10];
	_ =	sdelay $0x4  }
0x24c: {  	[tilespmem:s4+$0x6090] =	vst v2  }
0x24d: {  	v2 =	vld [tilespmem:s1+$0x1C20];
	_ =	sdelay $0x4  }
0x24e: {  	[tilespmem:s4+$0x60A0] =	vst v2  }
0x24f: {  	v2 =	vld [tilespmem:s1+$0x1C30];
	_ =	sdelay $0x4  }
0x250: {  	[tilespmem:s4+$0x60B0] =	vst v2  }
0x251: {  	v2 =	vld [tilespmem:s1+$0x1C40];
	_ =	sdelay $0x4  }
0x252: {  	[tilespmem:s4+$0x60C0] =	vst v2  }
0x253: {  	v2 =	vld [tilespmem:s1+$0x1C50];
	_ =	sdelay $0x4  }
0x254: {  	[tilespmem:s4+$0x60D0] =	vst v2  }
0x255: {  	v2 =	vld [tilespmem:s1+$0x1C60];
	_ =	sdelay $0x4  }
0x256: {  	[tilespmem:s4+$0x60E0] =	vst v2  }
0x257: {  	v2 =	vld [tilespmem:s1+$0x1C70];
	_ =	sdelay $0x4  }
0x258: {  	[tilespmem:s4+$0x60F0] =	vst v2  }
.LBB2_30:
.Ltmp19:
0x259: {  	s1 =	rddreg [dreg:$0x8];
	(pc) =	sbr.rel @p0 .LBB2_34-.Ltmp19, $4  }
0x25a: {  	s1 =	sadd.s32 s1, s25  }
0x25b: {  	s4 =	rddreg [dreg:$0x3];
	s1 =	sshrl.u32 s1, $0x3  }
0x25c: {  	s30 =	simm.s32 $0x0;
	s5 =	simm.s32 $0x6080;
	s1 =	sadd.s32 s4, s1  }
0x25d: {  	[hbm4b:s1+s30] =	stream.linear.scatter [tilespmem:s5], [sflag:$0x9], $0x4000, $0x38;
	[tilespmem:$0x16A80] =	vst v63  }
0x25e: {  	s1 =	simm.s32 $0x9  }
0x25f: {  	_ =	swait.ge [sflag:s1], $0x4000  }
0x260: {  	[sflag:s1] =	ssyncset.done $0x0  }
0x261: {  	[sflag:s1] =	ssyncadd.s32 $0xFFFFC000  }
0x262: {  	v2 =	vld [tilespmem:s7+$0x0];
	_ =	sdelay $0x4  }
0x263: {  	vm0 =	vlt.s32 v2, $0x4  }
0x264: {  	v3 =	vsel vm0, $0x1, v1  }
0x265: {  	(xrf0) =	vadd.scan.msk.s32 $0xffff, v3;
	_ =	sdelay $0x1  }
0x266: {  	s1 =	simm.s32 $0x0  }
0x267: {  	v3 =	vmov s1  }
0x268: {  	v3 =	vadd.s32 $0xFFFFFFFF, v3  }
0x269: {  	v3 =	vbroadcast v3, $0x0  }
0x26a: {  	v4, _, _ =	vpop (xrf0)  }
0x26b: {  	v5 =	vadd.s32 $0xFFFFFFFC, v2;
	v3 =	vadd.s32 v4, v3;
	(v2sf) =	vpush v4, $0xF  }
0x26c: {  	vm1 =	vgt.s32 v5, $0x0  }
0x26d: {  	v4 =	vnsel vm1, $0x0, v5  }
0x26e: {  	s8 =	simm.s32 $0x1E80;
	v4 =	vmin.u32 v4, $0x1869F  }
0x26f: {  	v5 =	vor.u32 s1, v0;
	[tilespmem:s8+$0x0] =	vst v4  }
0x270: {  	[tilespmem:v3+s22+$0x0] =	vst.idx.msk vm0, v5  }
0x271: {  	s30 =	sadd.s32 $0x10, s7;
	[tilespmem:v3+s23+$0x0] =	vst.idx.msk vm0, v2  }
0x272: {  	v2 =	vld [tilespmem:s30+$0x0];
	_ =	sdelay $0x4  }
0x273: {  	v3 =	vadd.s32 $0xFFFFFFFC, v2;
	vm0 =	vlt.s32 v2, $0x4  }
0x274: {  	vm1 =	vgt.s32 v3, $0x0;
	v4 =	vsel vm0, $0x1, v1  }
0x275: {  	v3 =	vnsel vm1, $0x0, v3;
	(xrf0) =	vadd.scan.msk.s32 $0xffff, v4  }
0x276: {  	s24 =	simm.s32 $0x10;
	s31 =	simm.s32 $0x20;
	v3 =	vmin.u32 v3, $0x1869F;
	s4 =	spop (v2sf)  }
.LBB2_32:
0x277: {  	p1 =	sne.s32 s31, $0x70;
	s1 =	sadd.s32 s1, s4;
	s8 =	sadd.s32 $0x10, s8  }
0x278: {  	s4 =	smov.u32 s31;
	s31 =	sadd.s32 $0x10, s31;
	v4 =	vmov s1  }
0x279: {  	v4 =	vadd.s32 $0xFFFFFFFF, v4  }
0x27a: {  	v4 =	vbroadcast v4, $0x0  }
0x27b: {  	v5, _, _ =	vpop (xrf0)  }
0x27c: {  	v4 =	vadd.s32 v5, v4;
	(v2sf) =	vpush v5, $0xF;
	_ =	sdelay $0x3  }
0x27d: {  	v5 =	vor.u32 s24, v0;
	s24 =	smov.u32 s4;
	[tilespmem:s8+$0x0] =	vst v3  }
0x27e: {  	[tilespmem:v4+s22+$0x0] =	vst.idx.msk vm0, v5  }
0x27f: {  	s30 =	sadd.s32 $0x10, s30;
	[tilespmem:v4+s23+$0x0] =	vst.idx.msk vm0, v2  }
0x280: {  	v2 =	vld [tilespmem:s30+$0x0];
	_ =	sdelay $0x3  }
.Ltmp20:
0x281: {  	(pc) =	sbr.rel @p1 .LBB2_32-.Ltmp20, $4  }
0x282: {  	vm0 =	vlt.s32 v2, $0x4;
	v3 =	vadd.s32 $0xFFFFFFFC, v2  }
0x283: {  	vm1 =	vgt.s32 v3, $0x0;
	v4 =	vsel vm0, $0x1, v1  }
0x284: {  	v3 =	vnsel vm1, $0x0, v3;
	(xrf0) =	vadd.scan.msk.s32 $0xffff, v4  }
0x285: {  	v3 =	vmin.u32 v3, $0x1869F;
	s4 =	spop (v2sf)  }
0x286: {  	_ =	sdelay $0x3  }
0x287: {  	v4, _, _ =	vpop (xrf0)  }
0x288: {  	(v2sf) =	vpush v4, $0xF;
	_ =	sdelay $0x1  }
0x289: {  	s1 =	sadd.s32 s1, s4  }
0x28a: {  	v5 =	vmov s1  }
0x28b: {  	v5 =	vadd.s32 $0xFFFFFFFF, v5  }
0x28c: {  	v5 =	vbroadcast v5, $0x0;
	_ =	sdelay $0x1  }
0x28d: {  	v4 =	vadd.s32 v4, v5;
	_ =	sdelay $0x2  }
0x28e: {  	s30 =	sadd.s32 $0x10, s8  }
0x28f: {  	v63 =	vor.u32 s24, v0;
	[tilespmem:s30+$0x0] =	vst v3  }
0x290: {  	s5 =	rddreg [dreg:$0x1];
	[tilespmem:v4+s22+$0x0] =	vst.idx.msk vm0, v63  }
0x291: {  	s8 =	simm.s32 $0x80;
	s24 =	simm.s32 $0x1E80;
	s30 =	simm.s32 $0x6080;
	[tilespmem:v4+s23+$0x0] =	vst.idx.msk vm0, v2  }
0x292: {  	[tilespmem:s30], [sflag:$0x4] =	stream.indirect.gather [hbm4b:s5+s8], $0x80, s24, s8, $0xb8;
	[tilespmem:$0x16A80] =	vst v63  }
0x293: {  	s4 =	spop (v2sf)  }
0x294: {  	s31 =	sadd.s32 s1, s4  }
0x295: {  	[smem:$0x1] =	sst s31  }
.LBB2_34:
0x296: {  	p1 =	slt.s32 s11, $0x1  }
.Ltmp21:
0x297: {  	_ = 	snop;
	(pc) =	sbr.rel @p1 .LBB2_41-.Ltmp21, $4  }
0x298: {  	s1 =	simm.s32 $0x5  }
0x299: {  	_ =	swait.ge [sflag:s1], $0x4000  }
0x29a: {  	[sflag:s1] =	ssyncset.done $0x0  }
0x29b: {  	[sflag:s1] =	ssyncadd.s32 $0xFFFFC000  }
0x29c: {  	p2 =	sne.s32 s11, $0x1  }
.Ltmp22:
0x29d: {  	_ = 	snop;
	(pc) =	sbr.rel @!p2 .LBB2_36-.Ltmp22, $3  }
0x29e: {  	_ =	sdelay $0x1  }
0x29f: {  	s1 =	simm.s32 $0x16780  }
0x2a0: {  	s30 =	simm.s32 $0x16280;
	p1 =	por $0x0, $0x0;
	v2 =	vld [tilespmem:s1+$0x0];
	s1 =	sadd.s32 $0xFFFFFFFF, s11  }
0x2a1: {  	_ =	sdelay $0x3  }
0x2a2: {  	(v2sf) =	vpush v2, $0x0;
	_ =	sdelay $0x1  }
0x2a3: {  	v2 =	vld [tilespmem:s30+$0x0];
	_ =	sdelay $0x4  }
0x2a4: {  	(v2sf) =	vpush v2, $0x0;
	_ =	sdelay $0x7  }
0x2a5: {  	s4 =	spop (v2sf)  }
0x2a6: {  	p1 =	sgt.s32 s4, $0x0  }
0x2a7: {  	s4 =	simm.s32 @!p1 $0x0  }
0x2a8: {  	s4 =	sshll.u32 s4, $0x9  }
0x2a9: {  	s4 =	sshra.s32 s4, $0x2  }
0x2aa: {  	v2 =	vld [tilespmem:s4+$0x1C00];
	_ =	sdelay $0x1  }
0x2ab: {  	s5 =	spop (v2sf)  }
0x2ac: {  	s5 =	sshll.u32 s5, $0x9  }
0x2ad: {  	s5 =	sshra.s32 s5, $0x2  }
0x2ae: {  	[tilespmem:s5+$0xA080] =	vst v2  }
0x2af: {  	v2 =	vld [tilespmem:s4+$0x1C10];
	_ =	sdelay $0x4  }
0x2b0: {  	[tilespmem:s5+$0xA090] =	vst v2  }
0x2b1: {  	v2 =	vld [tilespmem:s4+$0x1C20];
	_ =	sdelay $0x4  }
0x2b2: {  	[tilespmem:s5+$0xA0A0] =	vst v2  }
0x2b3: {  	v2 =	vld [tilespmem:s4+$0x1C30];
	_ =	sdelay $0x4  }
0x2b4: {  	[tilespmem:s5+$0xA0B0] =	vst v2  }
0x2b5: {  	v2 =	vld [tilespmem:s4+$0x1C40];
	_ =	sdelay $0x4  }
0x2b6: {  	[tilespmem:s5+$0xA0C0] =	vst v2  }
0x2b7: {  	v2 =	vld [tilespmem:s4+$0x1C50];
	_ =	sdelay $0x4  }
0x2b8: {  	[tilespmem:s5+$0xA0D0] =	vst v2  }
0x2b9: {  	v2 =	vld [tilespmem:s4+$0x1C60];
	_ =	sdelay $0x4  }
0x2ba: {  	[tilespmem:s5+$0xA0E0] =	vst v2  }
0x2bb: {  	v2 =	vld [tilespmem:s4+$0x1C70]  }
0x2bc: {  	p2 =	sne.s32 s1, $0x1  }
.Ltmp23:
0x2bd: {  	_ = 	snop;
	(pc) =	sbr.rel @!p2 .LBB2_38-.Ltmp23, $3  }
0x2be: {  	_ =	sdelay $0x1  }
0x2bf: {  	s24 =	simm.s32 $0x16781;
	[tilespmem:s5+$0xA0F0] =	vst v2  }
0x2c0: {  	s8 =	sadd.s32 $0xFFFFFFFF, s1;
	s1 =	simm.s32 $0x16280;
	p1 =	por $0x1, $0x1;
	v2 =	vld [tilespmem:s24+$0x0]  }
.LBB2_39:
0x2c1: {  	p2 =	sne.s32 s8, $0x1;
	_ =	sdelay $0x3  }
0x2c2: {  	(v2sf) =	vpush v2, $0x0  }
0x2c3: {  	s1 =	sadd.s32 $0x1, s1  }
0x2c4: {  	v2 =	vld [tilespmem:s1+$0x0];
	_ =	sdelay $0x4  }
0x2c5: {  	(v2sf) =	vpush v2, $0x0;
	_ =	sdelay $0x7  }
0x2c6: {  	s4 =	spop (v2sf)  }
0x2c7: {  	p3 =	sgt.s32 s4, $0x0  }
0x2c8: {  	s4 =	simm.s32 @!p3 $0x0  }
0x2c9: {  	s4 =	sshll.u32 s4, $0x9  }
0x2ca: {  	s4 =	sshra.s32 s4, $0x2  }
0x2cb: {  	v2 =	vld [tilespmem:s4+$0x1C00];
	_ =	sdelay $0x1  }
0x2cc: {  	s5 =	spop (v2sf)  }
0x2cd: {  	s5 =	sshll.u32 s5, $0x9  }
0x2ce: {  	s5 =	sshra.s32 s5, $0x2  }
0x2cf: {  	[tilespmem:s5+$0xA080] =	vst v2  }
0x2d0: {  	v2 =	vld [tilespmem:s4+$0x1C10];
	_ =	sdelay $0x4  }
0x2d1: {  	[tilespmem:s5+$0xA090] =	vst v2  }
0x2d2: {  	v2 =	vld [tilespmem:s4+$0x1C20];
	_ =	sdelay $0x4  }
0x2d3: {  	[tilespmem:s5+$0xA0A0] =	vst v2  }
0x2d4: {  	v2 =	vld [tilespmem:s4+$0x1C30];
	_ =	sdelay $0x4  }
0x2d5: {  	[tilespmem:s5+$0xA0B0] =	vst v2  }
0x2d6: {  	v2 =	vld [tilespmem:s4+$0x1C40];
	_ =	sdelay $0x4  }
0x2d7: {  	[tilespmem:s5+$0xA0C0] =	vst v2  }
0x2d8: {  	v2 =	vld [tilespmem:s4+$0x1C50];
	_ =	sdelay $0x4  }
0x2d9: {  	[tilespmem:s5+$0xA0D0] =	vst v2  }
0x2da: {  	v2 =	vld [tilespmem:s4+$0x1C60];
	_ =	sdelay $0x4  }
0x2db: {  	[tilespmem:s5+$0xA0E0] =	vst v2  }
0x2dc: {  	v2 =	vld [tilespmem:s4+$0x1C70];
	_ =	sdelay $0x1  }
.Ltmp24:
0x2dd: {  	(pc) =	sbr.rel @p2 .LBB2_39-.Ltmp24, $3  }
0x2de: {  	_ =	sdelay $0x1  }
0x2df: {  	s24 =	sadd.s32 $0x1, s24;
	[tilespmem:s5+$0xA0F0] =	vst v2  }
0x2e0: {  	s8 =	sadd.s32 $0xFFFFFFFF, s8;
	v2 =	vld [tilespmem:s24+$0x0]  }
.LBB2_40:
0x2e1: {  	_ =	sdelay $0x3  }
0x2e2: {  	s1 =	sadd.s32 @p1 $0x1, s1;
	(v2sf) =	vpush v2, $0x0  }
0x2e3: {  	s30 =	smov.u32 @p1 s1  }
0x2e4: {  	v2 =	vld [tilespmem:s30+$0x0];
	_ =	sdelay $0x4  }
0x2e5: {  	(v2sf) =	vpush v2, $0x0;
	_ =	sdelay $0x7  }
0x2e6: {  	s1 =	spop (v2sf)  }
0x2e7: {  	p1 =	sgt.s32 s1, $0x0  }
0x2e8: {  	s1 =	simm.s32 @!p1 $0x0  }
0x2e9: {  	s1 =	sshll.u32 s1, $0x9  }
0x2ea: {  	s1 =	sshra.s32 s1, $0x2  }
0x2eb: {  	v2 =	vld [tilespmem:s1+$0x1C00];
	_ =	sdelay $0x1  }
0x2ec: {  	s4 =	spop (v2sf)  }
0x2ed: {  	s4 =	sshll.u32 s4, $0x9  }
0x2ee: {  	s4 =	sshra.s32 s4, $0x2  }
0x2ef: {  	[tilespmem:s4+$0xA080] =	vst v2  }
0x2f0: {  	v2 =	vld [tilespmem:s1+$0x1C10];
	_ =	sdelay $0x4  }
0x2f1: {  	[tilespmem:s4+$0xA090] =	vst v2  }
0x2f2: {  	v2 =	vld [tilespmem:s1+$0x1C20];
	_ =	sdelay $0x4  }
0x2f3: {  	[tilespmem:s4+$0xA0A0] =	vst v2  }
0x2f4: {  	v2 =	vld [tilespmem:s1+$0x1C30];
	_ =	sdelay $0x4  }
0x2f5: {  	[tilespmem:s4+$0xA0B0] =	vst v2  }
0x2f6: {  	v2 =	vld [tilespmem:s1+$0x1C40];
	_ =	sdelay $0x4  }
0x2f7: {  	[tilespmem:s4+$0xA0C0] =	vst v2  }
0x2f8: {  	v2 =	vld [tilespmem:s1+$0x1C50];
	_ =	sdelay $0x4  }
0x2f9: {  	[tilespmem:s4+$0xA0D0] =	vst v2  }
0x2fa: {  	v2 =	vld [tilespmem:s1+$0x1C60];
	_ =	sdelay $0x4  }
0x2fb: {  	[tilespmem:s4+$0xA0E0] =	vst v2  }
0x2fc: {  	v2 =	vld [tilespmem:s1+$0x1C70];
	_ =	sdelay $0x4  }
0x2fd: {  	[tilespmem:s4+$0xA0F0] =	vst v2  }
.LBB2_41:
.Ltmp25:
0x2fe: {  	s1 =	rddreg [dreg:$0x9];
	(pc) =	sbr.rel @p0 .LBB2_45-.Ltmp25, $4  }
0x2ff: {  	s1 =	sadd.s32 s1, s25  }
0x300: {  	s4 =	rddreg [dreg:$0x3];
	s1 =	sshrl.u32 s1, $0x3  }
0x301: {  	s30 =	simm.s32 $0x0;
	s5 =	simm.s32 $0xA080;
	s1 =	sadd.s32 s4, s1  }
0x302: {  	[hbm4b:s1+s30] =	stream.linear.scatter [tilespmem:s5], [sflag:$0xA], $0x4000, $0x38;
	[tilespmem:$0x16A80] =	vst v63  }
0x303: {  	s1 =	simm.s32 $0xA  }
0x304: {  	_ =	swait.ge [sflag:s1], $0x4000  }
0x305: {  	[sflag:s1] =	ssyncset.done $0x0  }
0x306: {  	[sflag:s1] =	ssyncadd.s32 $0xFFFFC000  }
0x307: {  	v2 =	vld [tilespmem:s21+$0x0];
	_ =	sdelay $0x4  }
0x308: {  	vm0 =	vlt.s32 v2, $0x4  }
0x309: {  	v3 =	vsel vm0, $0x1, v1  }
0x30a: {  	(xrf0) =	vadd.scan.msk.s32 $0xffff, v3;
	_ =	sdelay $0x1  }
0x30b: {  	s1 =	simm.s32 $0x0  }
0x30c: {  	v3 =	vmov s1  }
0x30d: {  	v3 =	vadd.s32 $0xFFFFFFFF, v3  }
0x30e: {  	v3 =	vbroadcast v3, $0x0  }
0x30f: {  	v4, _, _ =	vpop (xrf0)  }
0x310: {  	v5 =	vadd.s32 $0xFFFFFFFC, v2;
	v3 =	vadd.s32 v4, v3;
	(v2sf) =	vpush v4, $0xF  }
0x311: {  	vm1 =	vgt.s32 v5, $0x0  }
0x312: {  	v4 =	vnsel vm1, $0x0, v5  }
0x313: {  	s8 =	simm.s32 $0x1F00;
	v4 =	vmin.u32 v4, $0x1869F  }
0x314: {  	v5 =	vor.u32 s1, v0;
	[tilespmem:s8+$0x0] =	vst v4  }
0x315: {  	[tilespmem:v3+s28+$0x0] =	vst.idx.msk vm0, v5  }
0x316: {  	s24 =	sadd.s32 $0x10, s21;
	[tilespmem:v3+s29+$0x0] =	vst.idx.msk vm0, v2  }
0x317: {  	v2 =	vld [tilespmem:s24+$0x0];
	_ =	sdelay $0x4  }
0x318: {  	v3 =	vadd.s32 $0xFFFFFFFC, v2;
	vm0 =	vlt.s32 v2, $0x4  }
0x319: {  	vm1 =	vgt.s32 v3, $0x0;
	v4 =	vsel vm0, $0x1, v1  }
0x31a: {  	v3 =	vnsel vm1, $0x0, v3;
	(xrf0) =	vadd.scan.msk.s32 $0xffff, v4  }
0x31b: {  	s11 =	simm.s32 $0x10;
	s30 =	simm.s32 $0x20;
	v3 =	vmin.u32 v3, $0x1869F;
	s4 =	spop (v2sf)  }
.LBB2_43:
0x31c: {  	p1 =	sne.s32 s30, $0x70;
	s1 =	sadd.s32 s1, s4;
	s8 =	sadd.s32 $0x10, s8  }
0x31d: {  	s4 =	smov.u32 s30;
	s30 =	sadd.s32 $0x10, s30;
	v4 =	vmov s1  }
0x31e: {  	v4 =	vadd.s32 $0xFFFFFFFF, v4  }
0x31f: {  	v4 =	vbroadcast v4, $0x0  }
0x320: {  	v5, _, _ =	vpop (xrf0)  }
0x321: {  	v4 =	vadd.s32 v5, v4;
	(v2sf) =	vpush v5, $0xF;
	_ =	sdelay $0x3  }
0x322: {  	v5 =	vor.u32 s11, v0;
	s11 =	smov.u32 s4;
	[tilespmem:s8+$0x0] =	vst v3  }
0x323: {  	[tilespmem:v4+s28+$0x0] =	vst.idx.msk vm0, v5  }
0x324: {  	s24 =	sadd.s32 $0x10, s24;
	[tilespmem:v4+s29+$0x0] =	vst.idx.msk vm0, v2  }
0x325: {  	v2 =	vld [tilespmem:s24+$0x0];
	_ =	sdelay $0x3  }
.Ltmp26:
0x326: {  	(pc) =	sbr.rel @p1 .LBB2_43-.Ltmp26, $4  }
0x327: {  	vm0 =	vlt.s32 v2, $0x4;
	v3 =	vadd.s32 $0xFFFFFFFC, v2  }
0x328: {  	vm1 =	vgt.s32 v3, $0x0;
	v4 =	vsel vm0, $0x1, v1  }
0x329: {  	v3 =	vnsel vm1, $0x0, v3;
	(xrf0) =	vadd.scan.msk.s32 $0xffff, v4  }
0x32a: {  	v3 =	vmin.u32 v3, $0x1869F;
	s4 =	spop (v2sf)  }
0x32b: {  	_ =	sdelay $0x3  }
0x32c: {  	v4, _, _ =	vpop (xrf0)  }
0x32d: {  	(v2sf) =	vpush v4, $0xF;
	_ =	sdelay $0x1  }
0x32e: {  	s1 =	sadd.s32 s1, s4  }
0x32f: {  	v5 =	vmov s1  }
0x330: {  	v5 =	vadd.s32 $0xFFFFFFFF, v5  }
0x331: {  	v5 =	vbroadcast v5, $0x0;
	_ =	sdelay $0x1  }
0x332: {  	v4 =	vadd.s32 v4, v5;
	_ =	sdelay $0x2  }
0x333: {  	s8 =	sadd.s32 $0x10, s8  }
0x334: {  	v63 =	vor.u32 s11, v0;
	[tilespmem:s8+$0x0] =	vst v3  }
0x335: {  	s5 =	rddreg [dreg:$0x1];
	[tilespmem:v4+s28+$0x0] =	vst.idx.msk vm0, v63  }
0x336: {  	s11 =	simm.s32 $0x80;
	s30 =	simm.s32 $0x1F00;
	s24 =	simm.s32 $0xA080;
	[tilespmem:v4+s29+$0x0] =	vst.idx.msk vm0, v2  }
0x337: {  	[tilespmem:s24], [sflag:$0x5] =	stream.indirect.gather [hbm4b:s5+s11], $0x80, s30, s11, $0xb8;
	[tilespmem:$0x16A80] =	vst v63  }
0x338: {  	s4 =	spop (v2sf)  }
0x339: {  	s11 =	sadd.s32 s1, s4  }
0x33a: {  	[smem:$0x2] =	sst s11  }
.LBB2_45:
0x33b: {  	p1 =	slt.s32 s13, $0x1  }
.Ltmp27:
0x33c: {  	_ = 	snop;
	(pc) =	sbr.rel @p1 .LBB2_52-.Ltmp27, $4  }
0x33d: {  	s1 =	simm.s32 $0x6  }
0x33e: {  	_ =	swait.ge [sflag:s1], $0x4000  }
0x33f: {  	[sflag:s1] =	ssyncset.done $0x0  }
0x340: {  	[sflag:s1] =	ssyncadd.s32 $0xFFFFC000  }
0x341: {  	p2 =	sne.s32 s13, $0x1  }
.Ltmp28:
0x342: {  	_ = 	snop;
	(pc) =	sbr.rel @!p2 .LBB2_47-.Ltmp28, $3  }
0x343: {  	_ =	sdelay $0x1  }
0x344: {  	s1 =	simm.s32 $0x16880  }
0x345: {  	s30 =	simm.s32 $0x16380;
	p1 =	por $0x0, $0x0;
	v2 =	vld [tilespmem:s1+$0x0];
	s1 =	sadd.s32 $0xFFFFFFFF, s13  }
0x346: {  	_ =	sdelay $0x3  }
0x347: {  	(v2sf) =	vpush v2, $0x0;
	_ =	sdelay $0x1  }
0x348: {  	v2 =	vld [tilespmem:s30+$0x0];
	_ =	sdelay $0x4  }
0x349: {  	(v2sf) =	vpush v2, $0x0;
	_ =	sdelay $0x7  }
0x34a: {  	s4 =	spop (v2sf)  }
0x34b: {  	p1 =	sgt.s32 s4, $0x0  }
0x34c: {  	s4 =	simm.s32 @!p1 $0x0  }
0x34d: {  	s4 =	sshll.u32 s4, $0x9  }
0x34e: {  	s4 =	sshra.s32 s4, $0x2  }
0x34f: {  	v2 =	vld [tilespmem:s4+$0x1C00];
	_ =	sdelay $0x1  }
0x350: {  	s5 =	spop (v2sf)  }
0x351: {  	s5 =	sshll.u32 s5, $0x9  }
0x352: {  	s5 =	sshra.s32 s5, $0x2  }
0x353: {  	[tilespmem:s5+$0xE080] =	vst v2  }
0x354: {  	v2 =	vld [tilespmem:s4+$0x1C10];
	_ =	sdelay $0x4  }
0x355: {  	[tilespmem:s5+$0xE090] =	vst v2  }
0x356: {  	v2 =	vld [tilespmem:s4+$0x1C20];
	_ =	sdelay $0x4  }
0x357: {  	[tilespmem:s5+$0xE0A0] =	vst v2  }
0x358: {  	v2 =	vld [tilespmem:s4+$0x1C30];
	_ =	sdelay $0x4  }
0x359: {  	[tilespmem:s5+$0xE0B0] =	vst v2  }
0x35a: {  	v2 =	vld [tilespmem:s4+$0x1C40];
	_ =	sdelay $0x4  }
0x35b: {  	[tilespmem:s5+$0xE0C0] =	vst v2  }
0x35c: {  	v2 =	vld [tilespmem:s4+$0x1C50];
	_ =	sdelay $0x4  }
0x35d: {  	[tilespmem:s5+$0xE0D0] =	vst v2  }
0x35e: {  	v2 =	vld [tilespmem:s4+$0x1C60];
	_ =	sdelay $0x4  }
0x35f: {  	[tilespmem:s5+$0xE0E0] =	vst v2  }
0x360: {  	v2 =	vld [tilespmem:s4+$0x1C70]  }
0x361: {  	p2 =	sne.s32 s1, $0x1  }
.Ltmp29:
0x362: {  	_ = 	snop;
	(pc) =	sbr.rel @!p2 .LBB2_49-.Ltmp29, $3  }
0x363: {  	_ =	sdelay $0x1  }
0x364: {  	s24 =	simm.s32 $0x16881;
	[tilespmem:s5+$0xE0F0] =	vst v2  }
0x365: {  	s8 =	sadd.s32 $0xFFFFFFFF, s1;
	s1 =	simm.s32 $0x16380;
	p1 =	por $0x1, $0x1;
	v2 =	vld [tilespmem:s24+$0x0]  }
.LBB2_50:
0x366: {  	p2 =	sne.s32 s8, $0x1;
	_ =	sdelay $0x3  }
0x367: {  	(v2sf) =	vpush v2, $0x0  }
0x368: {  	s1 =	sadd.s32 $0x1, s1  }
0x369: {  	v2 =	vld [tilespmem:s1+$0x0];
	_ =	sdelay $0x4  }
0x36a: {  	(v2sf) =	vpush v2, $0x0;
	_ =	sdelay $0x7  }
0x36b: {  	s4 =	spop (v2sf)  }
0x36c: {  	p3 =	sgt.s32 s4, $0x0  }
0x36d: {  	s4 =	simm.s32 @!p3 $0x0  }
0x36e: {  	s4 =	sshll.u32 s4, $0x9  }
0x36f: {  	s4 =	sshra.s32 s4, $0x2  }
0x370: {  	v2 =	vld [tilespmem:s4+$0x1C00];
	_ =	sdelay $0x1  }
0x371: {  	s5 =	spop (v2sf)  }
0x372: {  	s5 =	sshll.u32 s5, $0x9  }
0x373: {  	s5 =	sshra.s32 s5, $0x2  }
0x374: {  	[tilespmem:s5+$0xE080] =	vst v2  }
0x375: {  	v2 =	vld [tilespmem:s4+$0x1C10];
	_ =	sdelay $0x4  }
0x376: {  	[tilespmem:s5+$0xE090] =	vst v2  }
0x377: {  	v2 =	vld [tilespmem:s4+$0x1C20];
	_ =	sdelay $0x4  }
0x378: {  	[tilespmem:s5+$0xE0A0] =	vst v2  }
0x379: {  	v2 =	vld [tilespmem:s4+$0x1C30];
	_ =	sdelay $0x4  }
0x37a: {  	[tilespmem:s5+$0xE0B0] =	vst v2  }
0x37b: {  	v2 =	vld [tilespmem:s4+$0x1C40];
	_ =	sdelay $0x4  }
0x37c: {  	[tilespmem:s5+$0xE0C0] =	vst v2  }
0x37d: {  	v2 =	vld [tilespmem:s4+$0x1C50];
	_ =	sdelay $0x4  }
0x37e: {  	[tilespmem:s5+$0xE0D0] =	vst v2  }
0x37f: {  	v2 =	vld [tilespmem:s4+$0x1C60];
	_ =	sdelay $0x4  }
0x380: {  	[tilespmem:s5+$0xE0E0] =	vst v2  }
0x381: {  	v2 =	vld [tilespmem:s4+$0x1C70];
	_ =	sdelay $0x1  }
.Ltmp30:
0x382: {  	(pc) =	sbr.rel @p2 .LBB2_50-.Ltmp30, $3  }
0x383: {  	_ =	sdelay $0x1  }
0x384: {  	s24 =	sadd.s32 $0x1, s24;
	[tilespmem:s5+$0xE0F0] =	vst v2  }
0x385: {  	s8 =	sadd.s32 $0xFFFFFFFF, s8;
	v2 =	vld [tilespmem:s24+$0x0]  }
.LBB2_51:
0x386: {  	_ =	sdelay $0x3  }
0x387: {  	s1 =	sadd.s32 @p1 $0x1, s1;
	(v2sf) =	vpush v2, $0x0  }
0x388: {  	s30 =	smov.u32 @p1 s1  }
0x389: {  	v2 =	vld [tilespmem:s30+$0x0];
	_ =	sdelay $0x4  }
0x38a: {  	(v2sf) =	vpush v2, $0x0;
	_ =	sdelay $0x7  }
0x38b: {  	s1 =	spop (v2sf)  }
0x38c: {  	p1 =	sgt.s32 s1, $0x0  }
0x38d: {  	s1 =	simm.s32 @!p1 $0x0  }
0x38e: {  	s1 =	sshll.u32 s1, $0x9  }
0x38f: {  	s1 =	sshra.s32 s1, $0x2  }
0x390: {  	v2 =	vld [tilespmem:s1+$0x1C00];
	_ =	sdelay $0x1  }
0x391: {  	s4 =	spop (v2sf)  }
0x392: {  	s4 =	sshll.u32 s4, $0x9  }
0x393: {  	s4 =	sshra.s32 s4, $0x2  }
0x394: {  	[tilespmem:s4+$0xE080] =	vst v2  }
0x395: {  	v2 =	vld [tilespmem:s1+$0x1C10];
	_ =	sdelay $0x4  }
0x396: {  	[tilespmem:s4+$0xE090] =	vst v2  }
0x397: {  	v2 =	vld [tilespmem:s1+$0x1C20];
	_ =	sdelay $0x4  }
0x398: {  	[tilespmem:s4+$0xE0A0] =	vst v2  }
0x399: {  	v2 =	vld [tilespmem:s1+$0x1C30];
	_ =	sdelay $0x4  }
0x39a: {  	[tilespmem:s4+$0xE0B0] =	vst v2  }
0x39b: {  	v2 =	vld [tilespmem:s1+$0x1C40];
	_ =	sdelay $0x4  }
0x39c: {  	[tilespmem:s4+$0xE0C0] =	vst v2  }
0x39d: {  	v2 =	vld [tilespmem:s1+$0x1C50];
	_ =	sdelay $0x4  }
0x39e: {  	[tilespmem:s4+$0xE0D0] =	vst v2  }
0x39f: {  	v2 =	vld [tilespmem:s1+$0x1C60];
	_ =	sdelay $0x4  }
0x3a0: {  	[tilespmem:s4+$0xE0E0] =	vst v2  }
0x3a1: {  	v2 =	vld [tilespmem:s1+$0x1C70];
	_ =	sdelay $0x4  }
0x3a2: {  	[tilespmem:s4+$0xE0F0] =	vst v2  }
.LBB2_52:
.Ltmp31:
0x3a3: {  	s1 =	rddreg [dreg:$0xa];
	(pc) =	sbr.rel @p0 .LBB2_56-.Ltmp31, $4  }
0x3a4: {  	s1 =	sadd.s32 s1, s25  }
0x3a5: {  	s4 =	rddreg [dreg:$0x3];
	s1 =	sshrl.u32 s1, $0x3  }
0x3a6: {  	s30 =	simm.s32 $0x0;
	s5 =	simm.s32 $0xE080;
	s1 =	sadd.s32 s4, s1  }
0x3a7: {  	[hbm4b:s1+s30] =	stream.linear.scatter [tilespmem:s5], [sflag:$0xB], $0x4000, $0x38;
	[tilespmem:$0x16A80] =	vst v63  }
0x3a8: {  	s1 =	simm.s32 $0xB  }
0x3a9: {  	_ =	swait.ge [sflag:s1], $0x4000  }
0x3aa: {  	[sflag:s1] =	ssyncset.done $0x0  }
0x3ab: {  	[sflag:s1] =	ssyncadd.s32 $0xFFFFC000  }
0x3ac: {  	v2 =	vld [tilespmem:s9+$0x0];
	_ =	sdelay $0x4  }
0x3ad: {  	vm0 =	vlt.s32 v2, $0x4  }
0x3ae: {  	v3 =	vsel vm0, $0x1, v1  }
0x3af: {  	(xrf0) =	vadd.scan.msk.s32 $0xffff, v3;
	_ =	sdelay $0x1  }
0x3b0: {  	s1 =	simm.s32 $0x0  }
0x3b1: {  	v3 =	vmov s1  }
0x3b2: {  	v3 =	vadd.s32 $0xFFFFFFFF, v3  }
0x3b3: {  	v3 =	vbroadcast v3, $0x0  }
0x3b4: {  	v4, _, _ =	vpop (xrf0)  }
0x3b5: {  	v5 =	vadd.s32 $0xFFFFFFFC, v2;
	v3 =	vadd.s32 v4, v3;
	(v2sf) =	vpush v4, $0xF  }
0x3b6: {  	vm1 =	vgt.s32 v5, $0x0  }
0x3b7: {  	v4 =	vnsel vm1, $0x0, v5  }
0x3b8: {  	s8 =	simm.s32 $0x1F80;
	v4 =	vmin.u32 v4, $0x1869F  }
0x3b9: {  	v5 =	vor.u32 s1, v0;
	[tilespmem:s8+$0x0] =	vst v4  }
0x3ba: {  	[tilespmem:v3+s0+$0x0] =	vst.idx.msk vm0, v5  }
0x3bb: {  	s24 =	sadd.s32 $0x10, s9;
	[tilespmem:v3+s2+$0x0] =	vst.idx.msk vm0, v2  }
0x3bc: {  	v2 =	vld [tilespmem:s24+$0x0];
	_ =	sdelay $0x4  }
0x3bd: {  	v3 =	vadd.s32 $0xFFFFFFFC, v2;
	vm0 =	vlt.s32 v2, $0x4  }
0x3be: {  	vm1 =	vgt.s32 v3, $0x0;
	v4 =	vsel vm0, $0x1, v1  }
0x3bf: {  	v3 =	vnsel vm1, $0x0, v3;
	(xrf0) =	vadd.scan.msk.s32 $0xffff, v4  }
0x3c0: {  	s13 =	simm.s32 $0x10;
	s25 =	simm.s32 $0x20;
	v3 =	vmin.u32 v3, $0x1869F;
	s4 =	spop (v2sf)  }
.LBB2_54:
0x3c1: {  	p0 =	sne.s32 s25, $0x70;
	s1 =	sadd.s32 s1, s4;
	s8 =	sadd.s32 $0x10, s8  }
0x3c2: {  	s4 =	smov.u32 s25;
	s25 =	sadd.s32 $0x10, s25;
	v4 =	vmov s1  }
0x3c3: {  	v4 =	vadd.s32 $0xFFFFFFFF, v4  }
0x3c4: {  	v4 =	vbroadcast v4, $0x0  }
0x3c5: {  	v5, _, _ =	vpop (xrf0)  }
0x3c6: {  	v4 =	vadd.s32 v5, v4;
	(v2sf) =	vpush v5, $0xF;
	_ =	sdelay $0x3  }
0x3c7: {  	v5 =	vor.u32 s13, v0;
	s13 =	smov.u32 s4;
	[tilespmem:s8+$0x0] =	vst v3  }
0x3c8: {  	[tilespmem:v4+s0+$0x0] =	vst.idx.msk vm0, v5  }
0x3c9: {  	s24 =	sadd.s32 $0x10, s24;
	[tilespmem:v4+s2+$0x0] =	vst.idx.msk vm0, v2  }
0x3ca: {  	v2 =	vld [tilespmem:s24+$0x0];
	_ =	sdelay $0x3  }
.Ltmp32:
0x3cb: {  	(pc) =	sbr.rel @p0 .LBB2_54-.Ltmp32, $4  }
0x3cc: {  	vm0 =	vlt.s32 v2, $0x4;
	v3 =	vadd.s32 $0xFFFFFFFC, v2  }
0x3cd: {  	vm1 =	vgt.s32 v3, $0x0;
	v4 =	vsel vm0, $0x1, v1  }
0x3ce: {  	v3 =	vnsel vm1, $0x0, v3;
	(xrf0) =	vadd.scan.msk.s32 $0xffff, v4  }
0x3cf: {  	v3 =	vmin.u32 v3, $0x1869F;
	s4 =	spop (v2sf)  }
0x3d0: {  	_ =	sdelay $0x3  }
0x3d1: {  	v4, _, _ =	vpop (xrf0)  }
0x3d2: {  	(v2sf) =	vpush v4, $0xF;
	_ =	sdelay $0x1  }
0x3d3: {  	s1 =	sadd.s32 s1, s4  }
0x3d4: {  	v5 =	vmov s1  }
0x3d5: {  	v5 =	vadd.s32 $0xFFFFFFFF, v5  }
0x3d6: {  	v5 =	vbroadcast v5, $0x0;
	_ =	sdelay $0x1  }
0x3d7: {  	v4 =	vadd.s32 v4, v5;
	_ =	sdelay $0x2  }
0x3d8: {  	s24 =	sadd.s32 $0x10, s8  }
0x3d9: {  	v63 =	vor.u32 s13, v0;
	[tilespmem:s24+$0x0] =	vst v3  }
0x3da: {  	s5 =	rddreg [dreg:$0x1];
	[tilespmem:v4+s0+$0x0] =	vst.idx.msk vm0, v63  }
0x3db: {  	s25 =	simm.s32 $0x80;
	s30 =	simm.s32 $0x1F80;
	s24 =	simm.s32 $0xE080;
	[tilespmem:v4+s2+$0x0] =	vst.idx.msk vm0, v2  }
0x3dc: {  	[tilespmem:s24], [sflag:$0x6] =	stream.indirect.gather [hbm4b:s5+s25], $0x80, s30, s25, $0xb8;
	[tilespmem:$0x16A80] =	vst v63  }
0x3dd: {  	s4 =	spop (v2sf)  }
0x3de: {  	s13 =	sadd.s32 s1, s4  }
0x3df: {  	[smem:$0x3] =	sst s13  }
.LBB2_56:
0x3e0: {  	p0 =	slt.s32 s14, $0x1  }
.Ltmp33:
0x3e1: {  	_ = 	snop;
	(pc) =	sbr.rel @p0 .LBB2_63-.Ltmp33, $4  }
0x3e2: {  	s1 =	simm.s32 $0x7  }
0x3e3: {  	_ =	swait.ge [sflag:s1], $0x4000  }
0x3e4: {  	[sflag:s1] =	ssyncset.done $0x0  }
0x3e5: {  	s25 =	simm.s32 $0x12080;
	[sflag:s1] =	ssyncadd.s32 $0xFFFFC000  }
0x3e6: {  	s1 =	sadd.s32 s6, s17  }
0x3e7: {  	s4 =	simm.s32 $0x16980;
	p1 =	sne.s32 s1, $0x1  }
.Ltmp34:
0x3e8: {  	v2 =	vld [tilespmem:s4+$0x0];
	(pc) =	sbr.rel @!p1 .LBB2_58-.Ltmp34, $2  }
0x3e9: {  	_ =	sdelay $0x2  }
0x3ea: {  	s6 =	simm.s32 $0x16480;
	p0 =	por $0x0, $0x0;
	s1 =	sadd.s32 $0xFFFFFFFF, s1  }
0x3eb: {  	(v2sf) =	vpush v2, $0x0;
	_ =	sdelay $0x1  }
0x3ec: {  	v2 =	vld [tilespmem:s6+$0x0];
	_ =	sdelay $0x4  }
0x3ed: {  	(v2sf) =	vpush v2, $0x0;
	_ =	sdelay $0x7  }
0x3ee: {  	s4 =	spop (v2sf)  }
0x3ef: {  	p0 =	sgt.s32 s4, $0x0  }
0x3f0: {  	s4 =	simm.s32 @!p0 $0x0  }
0x3f1: {  	s4 =	sshll.u32 s4, $0x9  }
0x3f2: {  	s4 =	sshra.s32 s4, $0x2  }
0x3f3: {  	v2 =	vld [tilespmem:s4+$0x1C00];
	_ =	sdelay $0x1  }
0x3f4: {  	s5 =	spop (v2sf)  }
0x3f5: {  	s5 =	sshll.u32 s5, $0x9  }
0x3f6: {  	s5 =	sshra.s32 s5, $0x2  }
0x3f7: {  	[tilespmem:s5+$0x12080] =	vst v2  }
0x3f8: {  	v2 =	vld [tilespmem:s4+$0x1C10];
	_ =	sdelay $0x4  }
0x3f9: {  	[tilespmem:s5+$0x12090] =	vst v2  }
0x3fa: {  	v2 =	vld [tilespmem:s4+$0x1C20];
	_ =	sdelay $0x4  }
0x3fb: {  	[tilespmem:s5+$0x120A0] =	vst v2  }
0x3fc: {  	v2 =	vld [tilespmem:s4+$0x1C30];
	_ =	sdelay $0x4  }
0x3fd: {  	[tilespmem:s5+$0x120B0] =	vst v2  }
0x3fe: {  	v2 =	vld [tilespmem:s4+$0x1C40];
	_ =	sdelay $0x4  }
0x3ff: {  	[tilespmem:s5+$0x120C0] =	vst v2  }
0x400: {  	v2 =	vld [tilespmem:s4+$0x1C50];
	_ =	sdelay $0x4  }
0x401: {  	[tilespmem:s5+$0x120D0] =	vst v2  }
0x402: {  	v2 =	vld [tilespmem:s4+$0x1C60];
	_ =	sdelay $0x4  }
0x403: {  	[tilespmem:s5+$0x120E0] =	vst v2  }
0x404: {  	v2 =	vld [tilespmem:s4+$0x1C70];
	_ =	sdelay $0x4  }
0x405: {  	p1 =	sne.s32 s1, $0x1;
	s14 =	simm.s32 $0x16981;
	[tilespmem:s5+$0x120F0] =	vst v2  }
.Ltmp35:
0x406: {  	v2 =	vld [tilespmem:s14+$0x0];
	(pc) =	sbr.rel @!p1 .LBB2_60-.Ltmp35, $2  }
0x407: {  	_ =	sdelay $0x2  }
0x408: {  	s8 =	sadd.s32 $0xFFFFFFFF, s1;
	s1 =	simm.s32 $0x16480;
	p0 =	por $0x1, $0x1  }
.LBB2_61:
0x409: {  	p1 =	sne.s32 s8, $0x1;
	_ =	sdelay $0x3  }
0x40a: {  	(v2sf) =	vpush v2, $0x0  }
0x40b: {  	s1 =	sadd.s32 $0x1, s1  }
0x40c: {  	v2 =	vld [tilespmem:s1+$0x0];
	_ =	sdelay $0x4  }
0x40d: {  	(v2sf) =	vpush v2, $0x0;
	_ =	sdelay $0x7  }
0x40e: {  	s4 =	spop (v2sf)  }
0x40f: {  	p2 =	sgt.s32 s4, $0x0  }
0x410: {  	s4 =	simm.s32 @!p2 $0x0  }
0x411: {  	s4 =	sshll.u32 s4, $0x9  }
0x412: {  	s4 =	sshra.s32 s4, $0x2  }
0x413: {  	v2 =	vld [tilespmem:s4+$0x1C00];
	_ =	sdelay $0x1  }
0x414: {  	s5 =	spop (v2sf)  }
0x415: {  	s5 =	sshll.u32 s5, $0x9  }
0x416: {  	s5 =	sshra.s32 s5, $0x2  }
0x417: {  	[tilespmem:s5+$0x12080] =	vst v2  }
0x418: {  	v2 =	vld [tilespmem:s4+$0x1C10];
	_ =	sdelay $0x4  }
0x419: {  	[tilespmem:s5+$0x12090] =	vst v2  }
0x41a: {  	v2 =	vld [tilespmem:s4+$0x1C20];
	_ =	sdelay $0x4  }
0x41b: {  	[tilespmem:s5+$0x120A0] =	vst v2  }
0x41c: {  	v2 =	vld [tilespmem:s4+$0x1C30];
	_ =	sdelay $0x4  }
0x41d: {  	[tilespmem:s5+$0x120B0] =	vst v2  }
0x41e: {  	v2 =	vld [tilespmem:s4+$0x1C40];
	_ =	sdelay $0x4  }
0x41f: {  	[tilespmem:s5+$0x120C0] =	vst v2  }
0x420: {  	v2 =	vld [tilespmem:s4+$0x1C50];
	_ =	sdelay $0x4  }
0x421: {  	[tilespmem:s5+$0x120D0] =	vst v2  }
0x422: {  	v2 =	vld [tilespmem:s4+$0x1C60];
	_ =	sdelay $0x4  }
0x423: {  	[tilespmem:s5+$0x120E0] =	vst v2  }
0x424: {  	v2 =	vld [tilespmem:s4+$0x1C70];
	_ =	sdelay $0x1  }
.Ltmp36:
0x425: {  	(pc) =	sbr.rel @p1 .LBB2_61-.Ltmp36, $3  }
0x426: {  	_ =	sdelay $0x1  }
0x427: {  	s14 =	sadd.s32 $0x1, s14;
	[tilespmem:s5+$0x120F0] =	vst v2  }
0x428: {  	s8 =	sadd.s32 $0xFFFFFFFF, s8;
	v2 =	vld [tilespmem:s14+$0x0]  }
.Ltmp37:
0x429: {  	_ = 	snop;
	(pc) =	sbr.rel .LBB2_62-.Ltmp37, $1  }
0x42a: {  	_ =	sdelay $0x3  }
.LBB2_14:
.Ltmp38:
0x42b: {  	(pc) =	sbr.rel .LBB2_18-.Ltmp38, $2  }
0x42c: {  	_ =	sdelay $0x2  }
0x42d: {  	s30 =	simm.s32 $0x16080  }
.LBB2_25:
.Ltmp39:
0x42e: {  	(pc) =	sbr.rel .LBB2_29-.Ltmp39, $2  }
0x42f: {  	_ =	sdelay $0x2  }
0x430: {  	s1 =	simm.s32 $0x16180  }
.LBB2_36:
.Ltmp40:
0x431: {  	(pc) =	sbr.rel .LBB2_40-.Ltmp40, $2  }
0x432: {  	_ =	sdelay $0x2  }
0x433: {  	s1 =	simm.s32 $0x16280  }
.LBB2_47:
.Ltmp41:
0x434: {  	(pc) =	sbr.rel .LBB2_51-.Ltmp41, $2  }
0x435: {  	_ =	sdelay $0x2  }
0x436: {  	s1 =	simm.s32 $0x16380  }
.LBB2_16:
.Ltmp42:
0x437: {  	(pc) =	sbr.rel .LBB2_18-.Ltmp42, $2  }
0x438: {  	_ =	sdelay $0x2  }
0x439: {  	s30 =	simm.s32 $0x16080  }
.LBB2_27:
.Ltmp43:
0x43a: {  	(pc) =	sbr.rel .LBB2_29-.Ltmp43, $2  }
0x43b: {  	_ =	sdelay $0x2  }
0x43c: {  	s1 =	simm.s32 $0x16180  }
.LBB2_38:
.Ltmp44:
0x43d: {  	(pc) =	sbr.rel .LBB2_40-.Ltmp44, $2  }
0x43e: {  	_ =	sdelay $0x2  }
0x43f: {  	s1 =	simm.s32 $0x16280  }
.LBB2_49:
.Ltmp45:
0x440: {  	(pc) =	sbr.rel .LBB2_51-.Ltmp45, $2  }
0x441: {  	_ =	sdelay $0x2  }
0x442: {  	s1 =	simm.s32 $0x16380  }
.LBB2_60:
.Ltmp46:
0x443: {  	(pc) =	sbr.rel .LBB2_62-.Ltmp46, $2  }
0x444: {  	_ =	sdelay $0x2  }
0x445: {  	s1 =	simm.s32 $0x16480  }
.LBB2_65:
0x446: {  	_ =	sfence.sel $0x180000  }
0x447: {  	[bflag:$0x0] =	sbarrier.arrive $0xFFFF  }
0x448: {  	_ =	strace $0x90000047  }
0x449: {  	s0 =	stileid.u32;
	[bflag:$0x2] =	sbarrier.arrive $0xFFFF  }
0x44a: {  	p0 =	sne.s32 s0, $0x0;
	s0 =	rddreg [dreg:$0x4]  }
0x44b: {  	s0 =	sadd.s32 @!p0 $0x100000, s0  }
0x44c: {  	[sflag:s0] =	ssyncadd.tile.s32 @!p0 $0x1;
	_ =	shalt  }
.Lfunc_end2:
_tile_overlayer_lowered:
.L_overlay_start_2:
0x44d: {  	(tag) =	ssettag $0x2  }
0x44e: {  	s0 =	rddreg [dreg:$0x0];
	s2 =	stileid.u32  }
0x44f: {  	s1 =	rddreg [dreg:$0x1];
	p0 =	sne.s32 s2, $0x0  }
0x450: {  	s3 =	rddreg [dreg:$0x2];
	[bflag:$0x3] =	sbarrier.arrive $0xFFFF;
	s2 =	simm.s32 @!p0 $0x1C0D  }
0x451: {  	[timem:s3], [sflag:s2] =	dma.local @!p0 [hbm:s0], s1  }
0x452: {  	s0 =	simm.s32 @!p0 $0xD  }
0x453: {  	_ =	swait.ge @!p0 [sflag:s0], s1  }
0x454: {  	s1 =	ssub.s32 @!p0 $0x0, s1;
	[sflag:s0] =	ssyncset.done @!p0 $0x0  }
0x455: {  	[sflag:s0] =	ssyncadd.s32 @!p0 s1  }
0x456: {  	[bflag:$0x3] =	sbarrier.arrive $0xFFFF  }
0x457: {  	_ =	shalt  }

</sc_bundles>
